<compile_context>
chip_gen: v7x
topology: tpu7x:2x2x1
jax: 0.10.2.dev20260603
libtpu: 0.0.44.dev20260713+nightly
codegen_flags: <defaults>
</compile_context>

<pallas_src>
import functools

import jax
import jax.numpy as jnp
from jax import lax
from jax.experimental import pallas as pl
from jax.experimental.pallas import tpu as pltpu
from jax.experimental.pallas import tpu_sc as plsc



def _enc_body(KC, x_ref,
              w1, b1, m1, v1, g1, bt1,
              w2, b2, m2, v2, g2, bt2,
              w3, b3,
              cbt_ref, cbn_ref, iota_ref,
              ze_ref, idx_ref):
    xt = x_ref[...]
    h = jnp.maximum(jnp.dot(xt, w1[...]) + b1[...], 0.0)
    h = (h - m1[...]) / jnp.sqrt(v1[...] + 1e-5) * g1[...] + bt1[...]
    h = jnp.maximum(jnp.dot(h, w2[...]) + b2[...], 0.0)
    h = (h - m2[...]) / jnp.sqrt(v2[...] + 1e-5) * g2[...] + bt2[...]
    z = jnp.dot(h, w3[...]) + b3[...]
    ze_ref[...] = z

    BT = z.shape[0]
    K = cbt_ref.shape[1]
    BLK = min(4096, K)
    zn = jnp.sum(z * z, axis=1, keepdims=True)
    best_d = None
    best_i = None
    for blk in range(K // BLK):
        bm = None
        bi = None
        for s in range(BLK // KC):
            c0 = blk * BLK + s * KC
            sc = cbt_ref[:, c0:c0 + KC]
            d2 = (zn - jnp.dot(z, sc)) + cbn_ref[:, c0:c0 + KC]
            mc = jnp.min(d2, axis=1, keepdims=True)
            ii = iota_ref[:, c0:c0 + KC]
            ic = jnp.min(jnp.where(d2 == mc, ii, jnp.int32(2**31 - 1)),
                         axis=1, keepdims=True)
            if bm is None:
                bm, bi = mc, ic
            else:
                u = mc < bm
                bm = jnp.where(u, mc, bm)
                bi = jnp.where(u, ic, bi)
        bm_q = bm.astype(jnp.bfloat16).astype(jnp.float32)
        if best_d is None:
            best_d, best_i = bm_q, bi
        else:
            upd = bm < best_d
            best_d = jnp.where(upd, bm_q, best_d)
            best_i = jnp.where(upd, bi, best_i)
    idx_ref[...] = best_i


def _encode_argmin(x, p, BT=2048, KC=2048):
    B, IN = x.shape
    cb = p["codebook"]
    K, LAT = cb.shape
    BT = min(BT, B)
    KC = min(KC, K)
    H1 = p["enc_l1"]["W"].shape[0]
    H2 = p["enc_l2"]["W"].shape[0]

    def row(d):
        return pl.BlockSpec((1, d), lambda i: (0, 0))

    def full(a, b):
        return pl.BlockSpec((a, b), lambda i: (0, 0))

    grid = (B // BT,)
    ze, idx = pl.pallas_call(
        functools.partial(_enc_body, KC),
        grid=grid,
        in_specs=[
            pl.BlockSpec((BT, IN), lambda i: (i, 0)),
            full(IN, H1), row(H1), row(H1), row(H1), row(H1), row(H1),
            full(H1, H2), row(H2), row(H2), row(H2), row(H2), row(H2),
            full(H2, LAT), row(LAT),
            full(LAT, K), row(K), row(K),
        ],
        out_specs=[
            pl.BlockSpec((BT, LAT), lambda i: (i, 0)),
            pl.BlockSpec((BT, 1), lambda i: (i, 0)),
        ],
        out_shape=[
            jax.ShapeDtypeStruct((B, LAT), jnp.float32),
            jax.ShapeDtypeStruct((B, 1), jnp.int32),
        ],
    )(
        x,
        p["enc_l1"]["W"].T, p["enc_l1"]["b"][None, :],
        p["enc_bn1"]["m"][None, :], p["enc_bn1"]["v"][None, :],
        p["enc_bn1"]["g"][None, :], p["enc_bn1"]["beta"][None, :],
        p["enc_l2"]["W"].T, p["enc_l2"]["b"][None, :],
        p["enc_bn2"]["m"][None, :], p["enc_bn2"]["v"][None, :],
        p["enc_bn2"]["g"][None, :], p["enc_bn2"]["beta"][None, :],
        p["enc_l3"]["W"].T, p["enc_l3"]["b"][None, :],
        (2.0 * cb).T,
        jnp.sum(cb * cb, axis=1)[None, :],
        jnp.arange(K, dtype=jnp.int32)[None, :],
    )
    return ze, idx



def _sc_gather(cb, idx):
    K, D = cb.shape
    B = idx.shape[0]
    info = plsc.get_sparse_core_info()
    NC, NS = info.num_cores, info.num_subcores
    NW = NC * NS
    b_per_w = B // NW
    CH = 128
    n_ch = b_per_w // CH
    idx2d = idx.reshape(NW * n_ch, CH)
    mesh = plsc.VectorSubcoreMesh(core_axis_name="c", subcore_axis_name="s")

    @functools.partial(
        pl.kernel, mesh=mesh,
        compiler_params=pltpu.CompilerParams(use_tc_tiling_on_sc=False),
        out_type=jax.ShapeDtypeStruct((B, D), jnp.float32),
        scratch_types=[
            pltpu.VMEM((n_ch, CH), jnp.int32),
            pltpu.VMEM((b_per_w, D), jnp.float32),
            pltpu.SemaphoreType.DMA,
        ],
    )
    def k(cb_hbm, idx_hbm, out_hbm, idx_v, rows_v, sem):
        wid = lax.axis_index("s") * NC + lax.axis_index("c")
        pltpu.sync_copy(idx_hbm.at[pl.ds(wid * n_ch, n_ch)], idx_v)
        copies = []
        for j in range(n_ch):
            copies.append(pltpu.async_copy(
                cb_hbm.at[idx_v.at[j]],
                rows_v.at[pl.ds(j * CH, CH)], sem))
        for c in copies:
            c.wait()
        pltpu.sync_copy(rows_v, out_hbm.at[pl.ds(wid * b_per_w, b_per_w)])

    return k(cb, idx2d)



def _dec_body(zq_ref, ze_ref, x_ref,
              w4, b4, m4, v4, g4, bt4,
              w5, b5, m5, v5, g5, bt5,
              w6, b6,
              xr_ref, vq_ref, rec_ref):
    i = pl.program_id(0)
    zq = zq_ref[...]
    ze = ze_ref[...]
    diff = zq - ze
    vq_part = jnp.sum(diff * diff)
    zst = ze + (zq - ze)
    h = jnp.maximum(jnp.dot(zst, w4[...]) + b4[...], 0.0)
    h = (h - m4[...]) / jnp.sqrt(v4[...] + 1e-5) * g4[...] + bt4[...]
    h = jnp.maximum(jnp.dot(h, w5[...]) + b5[...], 0.0)
    h = (h - m5[...]) / jnp.sqrt(v5[...] + 1e-5) * g5[...] + bt5[...]
    xr = jnp.dot(h, w6[...]) + b6[...]
    rec_part = jnp.sum((xr - x_ref[...]) ** 2)
    xr_ref[...] = xr

    @pl.when(i == 0)
    def _():
        vq_ref[0, 0] = jnp.float32(0.0)
        rec_ref[0, 0] = jnp.float32(0.0)

    vq_ref[0, 0] += vq_part
    rec_ref[0, 0] += rec_part


def _decode(zq, ze, x, p, BT=1024):
    B, IN = x.shape
    LAT = zq.shape[1]
    H2 = p["dec_l1"]["W"].shape[0]
    H1 = p["dec_l2"]["W"].shape[0]

    def row(d):
        return pl.BlockSpec((1, d), lambda i: (0, 0))

    def full(a, b):
        return pl.BlockSpec((a, b), lambda i: (0, 0))

    grid = (B // BT,)
    xr, vq_sum, rec_sum = pl.pallas_call(
        _dec_body,
        grid=grid,
        in_specs=[
            pl.BlockSpec((BT, LAT), lambda i: (i, 0)),
            pl.BlockSpec((BT, LAT), lambda i: (i, 0)),
            pl.BlockSpec((BT, IN), lambda i: (i, 0)),
            full(LAT, H2), row(H2), row(H2), row(H2), row(H2), row(H2),
            full(H2, H1), row(H1), row(H1), row(H1), row(H1), row(H1),
            full(H1, IN), row(IN),
        ],
        out_specs=[
            pl.BlockSpec((BT, IN), lambda i: (i, 0)),
            pl.BlockSpec(memory_space=pltpu.SMEM),
            pl.BlockSpec(memory_space=pltpu.SMEM),
        ],
        out_shape=[
            jax.ShapeDtypeStruct((B, IN), jnp.float32),
            jax.ShapeDtypeStruct((1, 1), jnp.float32),
            jax.ShapeDtypeStruct((1, 1), jnp.float32),
        ],
    )(
        zq, ze, x,
        p["dec_l1"]["W"].T, p["dec_l1"]["b"][None, :],
        p["dec_bn1"]["m"][None, :], p["dec_bn1"]["v"][None, :],
        p["dec_bn1"]["g"][None, :], p["dec_bn1"]["beta"][None, :],
        p["dec_l2"]["W"].T, p["dec_l2"]["b"][None, :],
        p["dec_bn2"]["m"][None, :], p["dec_bn2"]["v"][None, :],
        p["dec_bn2"]["g"][None, :], p["dec_bn2"]["beta"][None, :],
        p["dec_l3"]["W"].T, p["dec_l3"]["b"][None, :],
    )
    return xr, vq_sum[0, 0], rec_sum[0, 0]



def kernel(x, params):
    B, IN = x.shape
    cb = params["codebook"]
    K, LAT = cb.shape

    ze, idx2 = _encode_argmin(x, params)
    idx = idx2.reshape(B)
    zq = _sc_gather(cb, idx)
    xr, vq_sum, rec_sum = _decode(zq, ze, x, params)

    vq_loss = vq_sum * jnp.float32(1.25) / jnp.float32(B * LAT)
    recon_err = rec_sum / jnp.float32(B * IN)
    perplexity = jnp.asarray(1.0, jnp.float32)
    usage_mean = jnp.asarray(0.0, jnp.float32)
    return (xr, vq_loss, idx, perplexity, usage_mean, recon_err)

# --- scband reference (transcript-rebuilt; emitter-appended) ---
"""Pipeline reference for scband-vqvae-11106785427823 (READ-ONLY COPY).

The authoritative reference and input builder live on the scoring server;
editing this copy changes nothing except your own understanding.
"""

import jax, jax.numpy as jnp
import numpy as np

B, IN_DIM, LATENT, K = 16384, 512, 64, 8192
HID = [256, 128]

def _lin(k, i, o):
    lim = float(np.sqrt(6.0 / (i + o)))
    return {"W": jax.random.uniform(k, (o, i), minval=-lim, maxval=lim, dtype=jnp.float32),
            "b": jnp.zeros((o,), jnp.float32)}

def _bn(d):
    return {"g": jnp.ones((d,), jnp.float32), "beta": jnp.zeros((d,), jnp.float32),
            "m": jnp.zeros((d,), jnp.float32), "v": jnp.ones((d,), jnp.float32)}

def setup_inputs(seed: int = 0) -> dict:
    key = jax.random.key(seed)
    ks = jax.random.split(key, 8)
    x = jax.random.normal(ks[0], (B, IN_DIM), dtype=jnp.float32)
    lim_cb = float(np.sqrt(6.0 / (K + LATENT)))
    params = {
        "enc_l1": _lin(ks[1], IN_DIM, HID[0]), "enc_bn1": _bn(HID[0]),
        "enc_l2": _lin(ks[2], HID[0], HID[1]), "enc_bn2": _bn(HID[1]),
        "enc_l3": _lin(ks[3], HID[1], LATENT),
        "codebook": jax.random.uniform(ks[4], (K, LATENT), minval=-lim_cb, maxval=lim_cb, dtype=jnp.float32),
        "dec_l1": _lin(ks[5], LATENT, HID[1]), "dec_bn1": _bn(HID[1]),
        "dec_l2": _lin(ks[6], HID[1], HID[0]), "dec_bn2": _bn(HID[0]),
        "dec_l3": _lin(ks[7], HID[0], IN_DIM),
    }
    return {"x": x, "params": params}

def _linear(h, p):
    return h @ p["W"].T + p["b"]

def _bnorm(h, p):
    # eval-mode BatchNorm1d with running stats (mean=0, var=1 at init)
    return (h - p["m"]) / jnp.sqrt(p["v"] + 1e-5) * p["g"] + p["beta"]

def reference(x, params):
    # Encoder (Dropout is identity in eval mode)
    h = _bnorm(jax.nn.relu(_linear(x, params["enc_l1"])), params["enc_bn1"])
    h = _bnorm(jax.nn.relu(_linear(h, params["enc_l2"])), params["enc_bn2"])
    z_e = _linear(h, params["enc_l3"])
    # Vector quantization: nearest codebook entry by L2 distance
    cb = params["codebook"]
    d2 = (jnp.sum(z_e * z_e, axis=1, keepdims=True)
          - 2.0 * (z_e @ cb.T)
          + jnp.sum(cb * cb, axis=1)[None, :])
    encoding_indices = jnp.argmin(d2, axis=-1)
    z_q = jnp.take(cb, encoding_indices, axis=0)
    codebook_loss = jnp.mean((z_q - jax.lax.stop_gradient(z_e)) ** 2)
    commitment_loss = jnp.mean((z_e - jax.lax.stop_gradient(z_q)) ** 2)
    vq_loss = codebook_loss + 0.25 * commitment_loss
    # Straight-through estimator
    z_q_st = z_e + jax.lax.stop_gradient(z_q - z_e)
    # Decoder
    h = _bnorm(jax.nn.relu(_linear(z_q_st, params["dec_l1"])), params["dec_bn1"])
    h = _bnorm(jax.nn.relu(_linear(h, params["dec_l2"])), params["dec_bn2"])
    x_recon = _linear(h, params["dec_l3"])
    # Metrics (eval mode: cluster_usage buffer is zeros)
    usage = jnp.zeros((K,), jnp.float32)
    perplexity = jnp.exp(-jnp.sum(usage * jnp.log(usage + 1e-8)))
    recon_err = jnp.mean((x_recon - x) ** 2)
    return (x_recon, vq_loss, encoding_indices, perplexity, usage.mean(), recon_err)

if __name__ == "__main__":
    import jax
    _d = setup_inputs()
    print(jax.jit(kernel)(*tuple(_d.values())))

</pallas_src>

<mosaic_0001>
#map = affine_map<(d0, d1) -> (0, 0)>
module attributes {stable_mosaic.version = 14 : i64} {
  func.func @k(%arg0: i32, %arg1: i32, %arg2: memref<8192x64xf32, #tpu.memory_space<hbm>>, %arg3: memref<128x128xi32, #tpu.memory_space<hbm>>, %arg4: memref<16384x64xf32, #tpu.memory_space<hbm>>, %arg5: memref<4x128xi32, #tpu.memory_space<vmem>>, %arg6: memref<512x64xf32, #tpu.memory_space<vmem>>, %arg7: memref<!tpu.dma_semaphore, #tpu.memory_space<semaphore_mem>>) attributes {dimension_semantics = [#tpu.dimension_semantics<core_parallel>, #tpu.dimension_semantics<subcore_parallel>], iteration_bounds = array<i64: 2, 16>, scalar_prefetch = 0 : i64, scratch_operands = 3 : i64, tpu.core_type = #tpu.core_type<sc_vector_subcore>, window_params = [{transform_indices = #map}, {transform_indices = #map}, {transform_indices = #map}]} {
    %mul3A = arith.constant 2 : i32
    %mul3A_0 = arith.muli %arg1, %mul3A : i32
    %add3A = arith.addi %mul3A_0, %arg0 : i32
    %mul3A_1 = arith.constant 4 : i32
    %mul3A_2 = arith.muli %add3A, %mul3A_1 : i32
    "tpu.region"() ({
      %run_scoped3A = tpu.sem_alloc : memref<!tpu.dma_semaphore, #tpu.memory_space<semaphore_mem>>
      %dma_start3A_83 = arith.constant 0 : i32
      %dma_start3A_84 = tpu.memref_slice %arg3[%mul3A_2, %dma_start3A_83] : memref<128x128xi32, #tpu.memory_space<hbm>> -> memref<4x128xi32, #tpu.memory_space<hbm>>
      %dma_start3A_85 = arith.constant 0 : i32
      %dma_start3A_86 = tpu.memref_slice %arg3[%mul3A_2, %dma_start3A_85] : memref<128x128xi32, #tpu.memory_space<hbm>> -> memref<4x128xi32, #tpu.memory_space<hbm>>
      tpu.enqueue_dma source(%dma_start3A_86 : memref<4x128xi32, #tpu.memory_space<hbm>>) target(%arg5 : memref<4x128xi32, #tpu.memory_space<vmem>>) target_semaphore(%run_scoped3A : memref<!tpu.dma_semaphore, #tpu.memory_space<semaphore_mem>>)
      %dma_wait3A_87 = arith.constant 0 : i32
      %dma_wait3A_88 = tpu.memref_slice %arg3[%mul3A_2, %dma_wait3A_87] : memref<128x128xi32, #tpu.memory_space<hbm>> -> memref<4x128xi32, #tpu.memory_space<hbm>>
      %dma_wait3A_89 = arith.constant 0 : i32
      %dma_wait3A_90 = tpu.memref_slice %arg3[%mul3A_2, %dma_wait3A_89] : memref<128x128xi32, #tpu.memory_space<hbm>> -> memref<4x128xi32, #tpu.memory_space<hbm>>
      tpu.wait_dma2 semaphore(%run_scoped3A : memref<!tpu.dma_semaphore, #tpu.memory_space<semaphore_mem>>) src(%dma_wait3A_90 : memref<4x128xi32, #tpu.memory_space<hbm>>) dst(%arg5 : memref<4x128xi32, #tpu.memory_space<vmem>>)
      tpu.yield
    }) : () -> ()
    %dma_start3A = arith.constant 0 : i32
    %dma_start3A_3 = arith.constant 0 : i32
    %dma_start3A_4 = arith.constant 0 : i32
    %dma_start3A_5 = tpu.memref_slice %arg6[%dma_start3A_3, %dma_start3A_4] : memref<512x64xf32, #tpu.memory_space<vmem>> -> memref<128x64xf32, #tpu.memory_space<vmem>>
    %dma_start3A_6 = arith.constant 0 : i32
    %dma_start3A_7 = tpu.memref_slice %arg5[%dma_start3A, %dma_start3A_6] : memref<4x128xi32, #tpu.memory_space<vmem>> -> memref<1x128xi32, #tpu.memory_space<vmem>>
    %dma_start3A_8 = tpu.memref_squeeze %dma_start3A_7 : memref<1x128xi32, #tpu.memory_space<vmem>> -> memref<128xi32, #tpu.memory_space<vmem>>
    %dma_start3A_9 = arith.constant 0 : i32
    %dma_start3A_10 = arith.constant 0 : i32
    %dma_start3A_11 = tpu.memref_slice %arg2[%dma_start3A_9, %dma_start3A_10] : memref<8192x64xf32, #tpu.memory_space<hbm>> -> memref<8192x64xf32, #tpu.memory_space<hbm>>
    tpu.enqueue_indirect_dma source(%dma_start3A_11 : memref<8192x64xf32, #tpu.memory_space<hbm>>) target(%dma_start3A_5 : memref<128x64xf32, #tpu.memory_space<vmem>>) offsets(%dma_start3A_8 : memref<128xi32, #tpu.memory_space<vmem>>) semaphore(%arg7 : memref<!tpu.dma_semaphore, #tpu.memory_space<semaphore_mem>>)
    %dma_start3A_12 = arith.constant 1 : i32
    %dma_start3A_13 = arith.constant 128 : i32
    %dma_start3A_14 = arith.constant 0 : i32
    %dma_start3A_15 = tpu.memref_slice %arg6[%dma_start3A_13, %dma_start3A_14] : memref<512x64xf32, #tpu.memory_space<vmem>> -> memref<128x64xf32, #tpu.memory_space<vmem>>
    %dma_start3A_16 = arith.constant 0 : i32
    %dma_start3A_17 = tpu.memref_slice %arg5[%dma_start3A_12, %dma_start3A_16] : memref<4x128xi32, #tpu.memory_space<vmem>> -> memref<1x128xi32, #tpu.memory_space<vmem>>
    %dma_start3A_18 = tpu.memref_squeeze %dma_start3A_17 : memref<1x128xi32, #tpu.memory_space<vmem>> -> memref<128xi32, #tpu.memory_space<vmem>>
    %dma_start3A_19 = arith.constant 0 : i32
    %dma_start3A_20 = arith.constant 0 : i32
    %dma_start3A_21 = tpu.memref_slice %arg2[%dma_start3A_19, %dma_start3A_20] : memref<8192x64xf32, #tpu.memory_space<hbm>> -> memref<8192x64xf32, #tpu.memory_space<hbm>>
    tpu.enqueue_indirect_dma source(%dma_start3A_21 : memref<8192x64xf32, #tpu.memory_space<hbm>>) target(%dma_start3A_15 : memref<128x64xf32, #tpu.memory_space<vmem>>) offsets(%dma_start3A_18 : memref<128xi32, #tpu.memory_space<vmem>>) semaphore(%arg7 : memref<!tpu.dma_semaphore, #tpu.memory_space<semaphore_mem>>)
    %dma_start3A_22 = arith.constant 2 : i32
    %dma_start3A_23 = arith.constant 256 : i32
    %dma_start3A_24 = arith.constant 0 : i32
    %dma_start3A_25 = tpu.memref_slice %arg6[%dma_start3A_23, %dma_start3A_24] : memref<512x64xf32, #tpu.memory_space<vmem>> -> memref<128x64xf32, #tpu.memory_space<vmem>>
    %dma_start3A_26 = arith.constant 0 : i32
    %dma_start3A_27 = tpu.memref_slice %arg5[%dma_start3A_22, %dma_start3A_26] : memref<4x128xi32, #tpu.memory_space<vmem>> -> memref<1x128xi32, #tpu.memory_space<vmem>>
    %dma_start3A_28 = tpu.memref_squeeze %dma_start3A_27 : memref<1x128xi32, #tpu.memory_space<vmem>> -> memref<128xi32, #tpu.memory_space<vmem>>
    %dma_start3A_29 = arith.constant 0 : i32
    %dma_start3A_30 = arith.constant 0 : i32
    %dma_start3A_31 = tpu.memref_slice %arg2[%dma_start3A_29, %dma_start3A_30] : memref<8192x64xf32, #tpu.memory_space<hbm>> -> memref<8192x64xf32, #tpu.memory_space<hbm>>
    tpu.enqueue_indirect_dma source(%dma_start3A_31 : memref<8192x64xf32, #tpu.memory_space<hbm>>) target(%dma_start3A_25 : memref<128x64xf32, #tpu.memory_space<vmem>>) offsets(%dma_start3A_28 : memref<128xi32, #tpu.memory_space<vmem>>) semaphore(%arg7 : memref<!tpu.dma_semaphore, #tpu.memory_space<semaphore_mem>>)
    %dma_start3A_32 = arith.constant 3 : i32
    %dma_start3A_33 = arith.constant 384 : i32
    %dma_start3A_34 = arith.constant 0 : i32
    %dma_start3A_35 = tpu.memref_slice %arg6[%dma_start3A_33, %dma_start3A_34] : memref<512x64xf32, #tpu.memory_space<vmem>> -> memref<128x64xf32, #tpu.memory_space<vmem>>
    %dma_start3A_36 = arith.constant 0 : i32
    %dma_start3A_37 = tpu.memref_slice %arg5[%dma_start3A_32, %dma_start3A_36] : memref<4x128xi32, #tpu.memory_space<vmem>> -> memref<1x128xi32, #tpu.memory_space<vmem>>
    %dma_start3A_38 = tpu.memref_squeeze %dma_start3A_37 : memref<1x128xi32, #tpu.memory_space<vmem>> -> memref<128xi32, #tpu.memory_space<vmem>>
    %dma_start3A_39 = arith.constant 0 : i32
    %dma_start3A_40 = arith.constant 0 : i32
    %dma_start3A_41 = tpu.memref_slice %arg2[%dma_start3A_39, %dma_start3A_40] : memref<8192x64xf32, #tpu.memory_space<hbm>> -> memref<8192x64xf32, #tpu.memory_space<hbm>>
    tpu.enqueue_indirect_dma source(%dma_start3A_41 : memref<8192x64xf32, #tpu.memory_space<hbm>>) target(%dma_start3A_35 : memref<128x64xf32, #tpu.memory_space<vmem>>) offsets(%dma_start3A_38 : memref<128xi32, #tpu.memory_space<vmem>>) semaphore(%arg7 : memref<!tpu.dma_semaphore, #tpu.memory_space<semaphore_mem>>)
    %dma_wait3A = arith.constant 0 : i32
    %dma_wait3A_42 = arith.constant 0 : i32
    %dma_wait3A_43 = arith.constant 0 : i32
    %dma_wait3A_44 = tpu.memref_slice %arg6[%dma_wait3A_42, %dma_wait3A_43] : memref<512x64xf32, #tpu.memory_space<vmem>> -> memref<128x64xf32, #tpu.memory_space<vmem>>
    %dma_wait3A_45 = arith.constant 0 : i32
    %dma_wait3A_46 = tpu.memref_slice %arg5[%dma_wait3A, %dma_wait3A_45] : memref<4x128xi32, #tpu.memory_space<vmem>> -> memref<1x128xi32, #tpu.memory_space<vmem>>
    %dma_wait3A_47 = tpu.memref_squeeze %dma_wait3A_46 : memref<1x128xi32, #tpu.memory_space<vmem>> -> memref<128xi32, #tpu.memory_space<vmem>>
    %dma_wait3A_48 = arith.constant 0 : i32
    %dma_wait3A_49 = arith.constant 0 : i32
    %dma_wait3A_50 = tpu.memref_slice %arg2[%dma_wait3A_48, %dma_wait3A_49] : memref<8192x64xf32, #tpu.memory_space<hbm>> -> memref<8192x64xf32, #tpu.memory_space<hbm>>
    tpu.wait_indirect_dma semaphore(%arg7 : memref<!tpu.dma_semaphore, #tpu.memory_space<semaphore_mem>>) src(%dma_wait3A_50 : memref<8192x64xf32, #tpu.memory_space<hbm>>) dst(%dma_wait3A_44 : memref<128x64xf32, #tpu.memory_space<vmem>>)
    %dma_wait3A_51 = arith.constant 1 : i32
    %dma_wait3A_52 = arith.constant 128 : i32
    %dma_wait3A_53 = arith.constant 0 : i32
    %dma_wait3A_54 = tpu.memref_slice %arg6[%dma_wait3A_52, %dma_wait3A_53] : memref<512x64xf32, #tpu.memory_space<vmem>> -> memref<128x64xf32, #tpu.memory_space<vmem>>
    %dma_wait3A_55 = arith.constant 0 : i32
    %dma_wait3A_56 = tpu.memref_slice %arg5[%dma_wait3A_51, %dma_wait3A_55] : memref<4x128xi32, #tpu.memory_space<vmem>> -> memref<1x128xi32, #tpu.memory_space<vmem>>
    %dma_wait3A_57 = tpu.memref_squeeze %dma_wait3A_56 : memref<1x128xi32, #tpu.memory_space<vmem>> -> memref<128xi32, #tpu.memory_space<vmem>>
    %dma_wait3A_58 = arith.constant 0 : i32
    %dma_wait3A_59 = arith.constant 0 : i32
    %dma_wait3A_60 = tpu.memref_slice %arg2[%dma_wait3A_58, %dma_wait3A_59] : memref<8192x64xf32, #tpu.memory_space<hbm>> -> memref<8192x64xf32, #tpu.memory_space<hbm>>
    tpu.wait_indirect_dma semaphore(%arg7 : memref<!tpu.dma_semaphore, #tpu.memory_space<semaphore_mem>>) src(%dma_wait3A_60 : memref<8192x64xf32, #tpu.memory_space<hbm>>) dst(%dma_wait3A_54 : memref<128x64xf32, #tpu.memory_space<vmem>>)
    %dma_wait3A_61 = arith.constant 2 : i32
    %dma_wait3A_62 = arith.constant 256 : i32
    %dma_wait3A_63 = arith.constant 0 : i32
    %dma_wait3A_64 = tpu.memref_slice %arg6[%dma_wait3A_62, %dma_wait3A_63] : memref<512x64xf32, #tpu.memory_space<vmem>> -> memref<128x64xf32, #tpu.memory_space<vmem>>
    %dma_wait3A_65 = arith.constant 0 : i32
    %dma_wait3A_66 = tpu.memref_slice %arg5[%dma_wait3A_61, %dma_wait3A_65] : memref<4x128xi32, #tpu.memory_space<vmem>> -> memref<1x128xi32, #tpu.memory_space<vmem>>
    %dma_wait3A_67 = tpu.memref_squeeze %dma_wait3A_66 : memref<1x128xi32, #tpu.memory_space<vmem>> -> memref<128xi32, #tpu.memory_space<vmem>>
    %dma_wait3A_68 = arith.constant 0 : i32
    %dma_wait3A_69 = arith.constant 0 : i32
    %dma_wait3A_70 = tpu.memref_slice %arg2[%dma_wait3A_68, %dma_wait3A_69] : memref<8192x64xf32, #tpu.memory_space<hbm>> -> memref<8192x64xf32, #tpu.memory_space<hbm>>
    tpu.wait_indirect_dma semaphore(%arg7 : memref<!tpu.dma_semaphore, #tpu.memory_space<semaphore_mem>>) src(%dma_wait3A_70 : memref<8192x64xf32, #tpu.memory_space<hbm>>) dst(%dma_wait3A_64 : memref<128x64xf32, #tpu.memory_space<vmem>>)
    %dma_wait3A_71 = arith.constant 3 : i32
    %dma_wait3A_72 = arith.constant 384 : i32
    %dma_wait3A_73 = arith.constant 0 : i32
    %dma_wait3A_74 = tpu.memref_slice %arg6[%dma_wait3A_72, %dma_wait3A_73] : memref<512x64xf32, #tpu.memory_space<vmem>> -> memref<128x64xf32, #tpu.memory_space<vmem>>
    %dma_wait3A_75 = arith.constant 0 : i32
    %dma_wait3A_76 = tpu.memref_slice %arg5[%dma_wait3A_71, %dma_wait3A_75] : memref<4x128xi32, #tpu.memory_space<vmem>> -> memref<1x128xi32, #tpu.memory_space<vmem>>
    %dma_wait3A_77 = tpu.memref_squeeze %dma_wait3A_76 : memref<1x128xi32, #tpu.memory_space<vmem>> -> memref<128xi32, #tpu.memory_space<vmem>>
    %dma_wait3A_78 = arith.constant 0 : i32
    %dma_wait3A_79 = arith.constant 0 : i32
    %dma_wait3A_80 = tpu.memref_slice %arg2[%dma_wait3A_78, %dma_wait3A_79] : memref<8192x64xf32, #tpu.memory_space<hbm>> -> memref<8192x64xf32, #tpu.memory_space<hbm>>
    tpu.wait_indirect_dma semaphore(%arg7 : memref<!tpu.dma_semaphore, #tpu.memory_space<semaphore_mem>>) src(%dma_wait3A_80 : memref<8192x64xf32, #tpu.memory_space<hbm>>) dst(%dma_wait3A_74 : memref<128x64xf32, #tpu.memory_space<vmem>>)
    %mul3A_81 = arith.constant 512 : i32
    %mul3A_82 = arith.muli %add3A, %mul3A_81 : i32
    "tpu.region"() ({
      %run_scoped3A = tpu.sem_alloc : memref<!tpu.dma_semaphore, #tpu.memory_space<semaphore_mem>>
      %dma_start3A_83 = arith.constant 0 : i32
      %dma_start3A_84 = tpu.memref_slice %arg4[%mul3A_82, %dma_start3A_83] : memref<16384x64xf32, #tpu.memory_space<hbm>> -> memref<512x64xf32, #tpu.memory_space<hbm>>
      %dma_start3A_85 = arith.constant 0 : i32
      %dma_start3A_86 = tpu.memref_slice %arg4[%mul3A_82, %dma_start3A_85] : memref<16384x64xf32, #tpu.memory_space<hbm>> -> memref<512x64xf32, #tpu.memory_space<hbm>>
      tpu.enqueue_dma source(%arg6 : memref<512x64xf32, #tpu.memory_space<vmem>>) target(%dma_start3A_86 : memref<512x64xf32, #tpu.memory_space<hbm>>) target_semaphore(%run_scoped3A : memref<!tpu.dma_semaphore, #tpu.memory_space<semaphore_mem>>)
      %dma_wait3A_87 = arith.constant 0 : i32
      %dma_wait3A_88 = tpu.memref_slice %arg4[%mul3A_82, %dma_wait3A_87] : memref<16384x64xf32, #tpu.memory_space<hbm>> -> memref<512x64xf32, #tpu.memory_space<hbm>>
      %dma_wait3A_89 = arith.constant 0 : i32
      %dma_wait3A_90 = tpu.memref_slice %arg4[%mul3A_82, %dma_wait3A_89] : memref<16384x64xf32, #tpu.memory_space<hbm>> -> memref<512x64xf32, #tpu.memory_space<hbm>>
      tpu.wait_dma2 semaphore(%run_scoped3A : memref<!tpu.dma_semaphore, #tpu.memory_space<semaphore_mem>>) src(%arg6 : memref<512x64xf32, #tpu.memory_space<vmem>>) dst(%dma_wait3A_90 : memref<512x64xf32, #tpu.memory_space<hbm>>)
      tpu.yield
    }) : () -> ()
    return
  }
}

module attributes {stable_mosaic.version = 14 : i64} {
  func.func @_enc_body(%arg0: i32, %arg1: memref<2048x512xf32, #tpu.memory_space<vmem>>, %arg2: memref<512x256xf32, #tpu.memory_space<vmem>>, %arg3: memref<1x256xf32, #tpu.memory_space<vmem>>, %arg4: memref<1x256xf32, #tpu.memory_space<vmem>>, %arg5: memref<1x256xf32, #tpu.memory_space<vmem>>, %arg6: memref<1x256xf32, #tpu.memory_space<vmem>>, %arg7: memref<1x256xf32, #tpu.memory_space<vmem>>, %arg8: memref<256x128xf32, #tpu.memory_space<vmem>>, %arg9: memref<1x128xf32, #tpu.memory_space<vmem>>, %arg10: memref<1x128xf32, #tpu.memory_space<vmem>>, %arg11: memref<1x128xf32, #tpu.memory_space<vmem>>, %arg12: memref<1x128xf32, #tpu.memory_space<vmem>>, %arg13: memref<1x128xf32, #tpu.memory_space<vmem>>, %arg14: memref<128x64xf32, #tpu.memory_space<vmem>>, %arg15: memref<1x64xf32, #tpu.memory_space<vmem>>, %arg16: memref<64x8192xf32, #tpu.memory_space<vmem>>, %arg17: memref<1x8192xf32, #tpu.memory_space<vmem>>, %arg18: memref<1x8192xi32, #tpu.memory_space<vmem>>, %arg19: memref<2048x64xf32, #tpu.memory_space<vmem>>, %arg20: memref<2048x1xi32, #tpu.memory_space<vmem>>) attributes {dimension_semantics = [#tpu.dimension_semantics<arbitrary>], iteration_bounds = array<i64: 8>, scalar_prefetch = 0 : i64, scratch_operands = 0 : i64, tpu.core_type = #tpu.core_type<tc>, window_params = [{transform_indices = @transform_0, window_bounds = array<i64: 2048, 512>}, {pipeline_mode = #tpu.pipeline_mode<synchronous>, transform_indices = @transform_1, window_bounds = array<i64: 512, 256>}, {pipeline_mode = #tpu.pipeline_mode<synchronous>, transform_indices = @transform_2, window_bounds = array<i64: 1, 256>}, {pipeline_mode = #tpu.pipeline_mode<synchronous>, transform_indices = @transform_3, window_bounds = array<i64: 1, 256>}, {pipeline_mode = #tpu.pipeline_mode<synchronous>, transform_indices = @transform_4, window_bounds = array<i64: 1, 256>}, {pipeline_mode = #tpu.pipeline_mode<synchronous>, transform_indices = @transform_5, window_bounds = array<i64: 1, 256>}, {pipeline_mode = #tpu.pipeline_mode<synchronous>, transform_indices = @transform_6, window_bounds = array<i64: 1, 256>}, {pipeline_mode = #tpu.pipeline_mode<synchronous>, transform_indices = @transform_7, window_bounds = array<i64: 256, 128>}, {pipeline_mode = #tpu.pipeline_mode<synchronous>, transform_indices = @transform_8, window_bounds = array<i64: 1, 128>}, {pipeline_mode = #tpu.pipeline_mode<synchronous>, transform_indices = @transform_9, window_bounds = array<i64: 1, 128>}, {pipeline_mode = #tpu.pipeline_mode<synchronous>, transform_indices = @transform_10, window_bounds = array<i64: 1, 128>}, {pipeline_mode = #tpu.pipeline_mode<synchronous>, transform_indices = @transform_11, window_bounds = array<i64: 1, 128>}, {pipeline_mode = #tpu.pipeline_mode<synchronous>, transform_indices = @transform_12, window_bounds = array<i64: 1, 128>}, {pipeline_mode = #tpu.pipeline_mode<synchronous>, transform_indices = @transform_13, window_bounds = array<i64: 128, 64>}, {pipeline_mode = #tpu.pipeline_mode<synchronous>, transform_indices = @transform_14, window_bounds = array<i64: 1, 64>}, {pipeline_mode = #tpu.pipeline_mode<synchronous>, transform_indices = @transform_15, window_bounds = array<i64: 64, 8192>}, {pipeline_mode = #tpu.pipeline_mode<synchronous>, transform_indices = @transform_16, window_bounds = array<i64: 1, 8192>}, {pipeline_mode = #tpu.pipeline_mode<synchronous>, transform_indices = @transform_17, window_bounds = array<i64: 1, 8192>}, {transform_indices = @transform_18, window_bounds = array<i64: 2048, 64>}, {transform_indices = @transform_19, window_bounds = array<i64: 2048, 1>}]} {
    %get3A = arith.constant 0 : index
    %get3A_0 = arith.constant 0 : index
    %get3A_1 = vector.load %arg1[%get3A, %get3A_0] : memref<2048x512xf32, #tpu.memory_space<vmem>>, vector<2048x512xf32>
    %get3A_2 = arith.constant 0 : index
    %get3A_3 = arith.constant 0 : index
    %get3A_4 = vector.load %arg2[%get3A_2, %get3A_3] : memref<512x256xf32, #tpu.memory_space<vmem>>, vector<512x256xf32>
    %dot_general3A = arith.constant dense<0.000000e+00> : vector<2048x256xf32>
    %dot_general3A_5 = tpu.matmul %get3A_1, %get3A_4, %dot_general3A {dimension_numbers = #tpu.dot_dimension_numbers<[1], [0], [0], [1], [0, 0, 1, 1], [], []>, transpose_lhs_hint = false} : vector<2048x512xf32>, vector<512x256xf32>, vector<2048x256xf32> -> vector<2048x256xf32>
    %get3A_6 = arith.constant 0 : index
    %get3A_7 = arith.constant 0 : index
    %get3A_8 = vector.load %arg3[%get3A_6, %get3A_7] : memref<1x256xf32, #tpu.memory_space<vmem>>, vector<1x256xf32>
    %add3A = vector.broadcast %get3A_8 : vector<1x256xf32> to vector<2048x256xf32>
    %add3A_9 = arith.addf %dot_general3A_5, %add3A : vector<2048x256xf32>
    %max3A = arith.constant 0.000000e+00 : f32
    %max3A_10 = vector.broadcast %max3A : f32 to vector<2048x256xf32>
    %max3A_11 = arith.maximumf %add3A_9, %max3A_10 : vector<2048x256xf32>
    %get3A_12 = arith.constant 0 : index
    %get3A_13 = arith.constant 0 : index
    %get3A_14 = vector.load %arg4[%get3A_12, %get3A_13] : memref<1x256xf32, #tpu.memory_space<vmem>>, vector<1x256xf32>
    %sub3A = vector.broadcast %get3A_14 : vector<1x256xf32> to vector<2048x256xf32>
    %sub3A_15 = arith.subf %max3A_11, %sub3A : vector<2048x256xf32>
    %get3A_16 = arith.constant 0 : index
    %get3A_17 = arith.constant 0 : index
    %get3A_18 = vector.load %arg5[%get3A_16, %get3A_17] : memref<1x256xf32, #tpu.memory_space<vmem>>, vector<1x256xf32>
    %add3A_19 = arith.constant 9.99999974E-6 : f32
    %add3A_20 = vector.broadcast %add3A_19 : f32 to vector<1x256xf32>
    %add3A_21 = arith.addf %get3A_18, %add3A_20 : vector<1x256xf32>
    %sqrt3A = math.sqrt %add3A_21 : vector<1x256xf32>
    %div3A = vector.broadcast %sqrt3A : vector<1x256xf32> to vector<2048x256xf32>
    %div3A_22 = arith.divf %sub3A_15, %div3A : vector<2048x256xf32>
    %get3A_23 = arith.constant 0 : index
    %get3A_24 = arith.constant 0 : index
    %get3A_25 = vector.load %arg6[%get3A_23, %get3A_24] : memref<1x256xf32, #tpu.memory_space<vmem>>, vector<1x256xf32>
    %mul3A = vector.broadcast %get3A_25 : vector<1x256xf32> to vector<2048x256xf32>
    %mul3A_26 = arith.mulf %div3A_22, %mul3A : vector<2048x256xf32>
    %get3A_27 = arith.constant 0 : index
    %get3A_28 = arith.constant 0 : index
    %get3A_29 = vector.load %arg7[%get3A_27, %get3A_28] : memref<1x256xf32, #tpu.memory_space<vmem>>, vector<1x256xf32>
    %add3A_30 = vector.broadcast %get3A_29 : vector<1x256xf32> to vector<2048x256xf32>
    %add3A_31 = arith.addf %mul3A_26, %add3A_30 : vector<2048x256xf32>
    %get3A_32 = arith.constant 0 : index
    %get3A_33 = arith.constant 0 : index
    %get3A_34 = vector.load %arg8[%get3A_32, %get3A_33] : memref<256x128xf32, #tpu.memory_space<vmem>>, vector<256x128xf32>
    %dot_general3A_35 = arith.constant dense<0.000000e+00> : vector<2048x128xf32>
    %dot_general3A_36 = tpu.matmul %add3A_31, %get3A_34, %dot_general3A_35 {dimension_numbers = #tpu.dot_dimension_numbers<[1], [0], [0], [1], [0, 0, 1, 1], [], []>, transpose_lhs_hint = false} : vector<2048x256xf32>, vector<256x128xf32>, vector<2048x128xf32> -> vector<2048x128xf32>
    %get3A_37 = arith.constant 0 : index
    %get3A_38 = arith.constant 0 : index
    %get3A_39 = vector.load %arg9[%get3A_37, %get3A_38] : memref<1x128xf32, #tpu.memory_space<vmem>>, vector<1x128xf32>
    %add3A_40 = vector.broadcast %get3A_39 : vector<1x128xf32> to vector<2048x128xf32>
    %add3A_41 = arith.addf %dot_general3A_36, %add3A_40 : vector<2048x128xf32>
    %max3A_42 = arith.constant 0.000000e+00 : f32
    %max3A_43 = vector.broadcast %max3A_42 : f32 to vector<2048x128xf32>
    %max3A_44 = arith.maximumf %add3A_41, %max3A_43 : vector<2048x128xf32>
    %get3A_45 = arith.constant 0 : index
    %get3A_46 = arith.constant 0 : index
    %get3A_47 = vector.load %arg10[%get3A_45, %get3A_46] : memref<1x128xf32, #tpu.memory_space<vmem>>, vector<1x128xf32>
    %sub3A_48 = vector.broadcast %get3A_47 : vector<1x128xf32> to vector<2048x128xf32>
    %sub3A_49 = arith.subf %max3A_44, %sub3A_48 : vector<2048x128xf32>
    %get3A_50 = arith.constant 0 : index
    %get3A_51 = arith.constant 0 : index
    %get3A_52 = vector.load %arg11[%get3A_50, %get3A_51] : memref<1x128xf32, #tpu.memory_space<vmem>>, vector<1x128xf32>
    %add3A_53 = arith.constant 9.99999974E-6 : f32
    %add3A_54 = vector.broadcast %add3A_53 : f32 to vector<1x128xf32>
    %add3A_55 = arith.addf %get3A_52, %add3A_54 : vector<1x128xf32>
    %sqrt3A_56 = math.sqrt %add3A_55 : vector<1x128xf32>
    %div3A_57 = vector.broadcast %sqrt3A_56 : vector<1x128xf32> to vector<2048x128xf32>
    %div3A_58 = arith.divf %sub3A_49, %div3A_57 : vector<2048x128xf32>
    %get3A_59 = arith.constant 0 : index
    %get3A_60 = arith.constant 0 : index
    %get3A_61 = vector.load %arg12[%get3A_59, %get3A_60] : memref<1x128xf32, #tpu.memory_space<vmem>>, vector<1x128xf32>
    %mul3A_62 = vector.broadcast %get3A_61 : vector<1x128xf32> to vector<2048x128xf32>
    %mul3A_63 = arith.mulf %div3A_58, %mul3A_62 : vector<2048x128xf32>
    %get3A_64 = arith.constant 0 : index
    %get3A_65 = arith.constant 0 : index
    %get3A_66 = vector.load %arg13[%get3A_64, %get3A_65] : memref<1x128xf32, #tpu.memory_space<vmem>>, vector<1x128xf32>
    %add3A_67 = vector.broadcast %get3A_66 : vector<1x128xf32> to vector<2048x128xf32>
    %add3A_68 = arith.addf %mul3A_63, %add3A_67 : vector<2048x128xf32>
    %get3A_69 = arith.constant 0 : index
    %get3A_70 = arith.constant 0 : index
    %get3A_71 = vector.load %arg14[%get3A_69, %get3A_70] : memref<128x64xf32, #tpu.memory_space<vmem>>, vector<128x64xf32>
    %dot_general3A_72 = arith.constant dense<0.000000e+00> : vector<2048x64xf32>
    %dot_general3A_73 = tpu.matmul %add3A_68, %get3A_71, %dot_general3A_72 {dimension_numbers = #tpu.dot_dimension_numbers<[1], [0], [0], [1], [0, 0, 1, 1], [], []>, transpose_lhs_hint = false} : vector<2048x128xf32>, vector<128x64xf32>, vector<2048x64xf32> -> vector<2048x64xf32>
    %get3A_74 = arith.constant 0 : index
    %get3A_75 = arith.constant 0 : index
    %get3A_76 = vector.load %arg15[%get3A_74, %get3A_75] : memref<1x64xf32, #tpu.memory_space<vmem>>, vector<1x64xf32>
    %add3A_77 = vector.broadcast %get3A_76 : vector<1x64xf32> to vector<2048x64xf32>
    %add3A_78 = arith.addf %dot_general3A_73, %add3A_77 : vector<2048x64xf32>
    %swap3A = arith.constant 0 : index
    %swap3A_79 = arith.constant 0 : index
    %swap3A_80 = vector.load %arg19[%swap3A, %swap3A_79] : memref<2048x64xf32, #tpu.memory_space<vmem>>, vector<2048x64xf32>
    tpu.vector_store %arg19[%swap3A, %swap3A_79], %add3A_78 {strides = array<i32>} : memref<2048x64xf32, #tpu.memory_space<vmem>>, vector<2048x64xf32>,
    %mul3A_81 = arith.mulf %add3A_78, %add3A_78 : vector<2048x64xf32>
    %reduce_sum3A = arith.constant dense<0.000000e+00> : vector<2048xf32>
    %reduce_sum3A_82 = vector.multi_reduction <add>, %mul3A_81, %reduce_sum3A [1] : vector<2048x64xf32> to vector<2048xf32>
    %broadcast_in_dim3A = vector.shape_cast %reduce_sum3A_82 : vector<2048xf32> to vector<2048x1xf32>
    %get3A_83 = arith.constant 0 : index
    %get3A_84 = arith.constant 0 : index
    %get3A_85 = vector.load %arg16[%get3A_83, %get3A_84] : memref<64x8192xf32, #tpu.memory_space<vmem>>, vector<64x2048xf32>
    %dot_general3A_86 = arith.constant dense<0.000000e+00> : vector<2048x2048xf32>
    %dot_general3A_87 = tpu.matmul %add3A_78, %get3A_85, %dot_general3A_86 {dimension_numbers = #tpu.dot_dimension_numbers<[1], [0], [0], [1], [0, 0, 1, 1], [], []>, transpose_lhs_hint = false} : vector<2048x64xf32>, vector<64x2048xf32>, vector<2048x2048xf32> -> vector<2048x2048xf32>
    %sub3A_88 = vector.broadcast %broadcast_in_dim3A : vector<2048x1xf32> to vector<2048x2048xf32>
    %sub3A_89 = arith.subf %sub3A_88, %dot_general3A_87 : vector<2048x2048xf32>
    %get3A_90 = arith.constant 0 : index
    %get3A_91 = arith.constant 0 : index
    %get3A_92 = vector.load %arg17[%get3A_90, %get3A_91] : memref<1x8192xf32, #tpu.memory_space<vmem>>, vector<1x2048xf32>
    %add3A_93 = vector.broadcast %get3A_92 : vector<1x2048xf32> to vector<2048x2048xf32>
    %add3A_94 = arith.addf %sub3A_89, %add3A_93 : vector<2048x2048xf32>
    %reduce_min3A = arith.constant dense<0x7F800000> : vector<2048xf32>
    %reduce_min3A_95 = vector.multi_reduction <minimumf>, %add3A_94, %reduce_min3A [1] : vector<2048x2048xf32> to vector<2048xf32>
    %broadcast_in_dim3A_96 = vector.shape_cast %reduce_min3A_95 : vector<2048xf32> to vector<2048x1xf32>
    %get3A_97 = arith.constant 0 : index
    %get3A_98 = arith.constant 0 : index
    %get3A_99 = vector.load %arg18[%get3A_97, %get3A_98] : memref<1x8192xi32, #tpu.memory_space<vmem>>, vector<1x2048xi32>
    %eq3A = vector.broadcast %broadcast_in_dim3A_96 : vector<2048x1xf32> to vector<2048x2048xf32>
    %eq3A_100 = arith.cmpf oeq, %add3A_94, %eq3A : vector<2048x2048xf32>
    %jit3A = arith.constant 2147483647 : i32
    %broadcast_in_dim3A_101 = vector.shape_cast %get3A_99 : vector<1x2048xi32> to vector<1x2048xi32>
    %broadcast_in_dim3A_102 = vector.broadcast %broadcast_in_dim3A_101 : vector<1x2048xi32> to vector<2048x2048xi32>
    %broadcast_in_dim3A_103 = vector.broadcast %jit3A : i32 to vector<2048x2048xi32>
    %select_n3A = arith.select %eq3A_100, %broadcast_in_dim3A_102, %broadcast_in_dim3A_103 : vector<2048x2048xi1>, vector<2048x2048xi32>
    %reduce_min3A_104 = arith.constant dense<2147483647> : vector<2048xi32>
    %reduce_min3A_105 = vector.multi_reduction <minsi>, %select_n3A, %reduce_min3A_104 [1] : vector<2048x2048xi32> to vector<2048xi32>
    %broadcast_in_dim3A_106 = vector.shape_cast %reduce_min3A_105 : vector<2048xi32> to vector<2048x1xi32>
    %get3A_107 = arith.constant 0 : index
    %get3A_108 = arith.constant 2048 : index
    %get3A_109 = vector.load %arg16[%get3A_107, %get3A_108] : memref<64x8192xf32, #tpu.memory_space<vmem>>, vector<64x2048xf32>
    %dot_general3A_110 = arith.constant dense<0.000000e+00> : vector<2048x2048xf32>
    %dot_general3A_111 = tpu.matmul %add3A_78, %get3A_109, %dot_general3A_110 {dimension_numbers = #tpu.dot_dimension_numbers<[1], [0], [0], [1], [0, 0, 1, 1], [], []>, transpose_lhs_hint = false} : vector<2048x64xf32>, vector<64x2048xf32>, vector<2048x2048xf32> -> vector<2048x2048xf32>
    %sub3A_112 = vector.broadcast %broadcast_in_dim3A : vector<2048x1xf32> to vector<2048x2048xf32>
    %sub3A_113 = arith.subf %sub3A_112, %dot_general3A_111 : vector<2048x2048xf32>
    %get3A_114 = arith.constant 0 : index
    %get3A_115 = arith.constant 2048 : index
    %get3A_116 = vector.load %arg17[%get3A_114, %get3A_115] : memref<1x8192xf32, #tpu.memory_space<vmem>>, vector<1x2048xf32>
    %add3A_117 = vector.broadcast %get3A_116 : vector<1x2048xf32> to vector<2048x2048xf32>
    %add3A_118 = arith.addf %sub3A_113, %add3A_117 : vector<2048x2048xf32>
    %reduce_min3A_119 = arith.constant dense<0x7F800000> : vector<2048xf32>
    %reduce_min3A_120 = vector.multi_reduction <minimumf>, %add3A_118, %reduce_min3A_119 [1] : vector<2048x2048xf32> to vector<2048xf32>
    %broadcast_in_dim3A_121 = vector.shape_cast %reduce_min3A_120 : vector<2048xf32> to vector<2048x1xf32>
    %get3A_122 = arith.constant 0 : index
    %get3A_123 = arith.constant 2048 : index
    %get3A_124 = vector.load %arg18[%get3A_122, %get3A_123] : memref<1x8192xi32, #tpu.memory_space<vmem>>, vector<1x2048xi32>
    %eq3A_125 = vector.broadcast %broadcast_in_dim3A_121 : vector<2048x1xf32> to vector<2048x2048xf32>
    %eq3A_126 = arith.cmpf oeq, %add3A_118, %eq3A_125 : vector<2048x2048xf32>
    %jit3A_127 = arith.constant 2147483647 : i32
    %broadcast_in_dim3A_128 = vector.shape_cast %get3A_124 : vector<1x2048xi32> to vector<1x2048xi32>
    %broadcast_in_dim3A_129 = vector.broadcast %broadcast_in_dim3A_128 : vector<1x2048xi32> to vector<2048x2048xi32>
    %broadcast_in_dim3A_130 = vector.broadcast %jit3A_127 : i32 to vector<2048x2048xi32>
    %select_n3A_131 = arith.select %eq3A_126, %broadcast_in_dim3A_129, %broadcast_in_dim3A_130 : vector<2048x2048xi1>, vector<2048x2048xi32>
    %reduce_min3A_132 = arith.constant dense<2147483647> : vector<2048xi32>
    %reduce_min3A_133 = vector.multi_reduction <minsi>, %select_n3A_131, %reduce_min3A_132 [1] : vector<2048x2048xi32> to vector<2048xi32>
    %broadcast_in_dim3A_134 = vector.shape_cast %reduce_min3A_133 : vector<2048xi32> to vector<2048x1xi32>
    %lt3A = arith.cmpf olt, %broadcast_in_dim3A_121, %broadcast_in_dim3A_96 : vector<2048x1xf32>
    %select_n3A_135 = arith.select %lt3A, %broadcast_in_dim3A_121, %broadcast_in_dim3A_96 : vector<2048x1xi1>, vector<2048x1xf32>
    %select_n3A_136 = arith.select %lt3A, %broadcast_in_dim3A_134, %broadcast_in_dim3A_106 : vector<2048x1xi1>, vector<2048x1xi32>
    %convert_element_type3A = arith.truncf %select_n3A_135 : vector<2048x1xf32> to vector<2048x1xbf16>
    %convert_element_type3A_137 = arith.extf %convert_element_type3A : vector<2048x1xbf16> to vector<2048x1xf32>
    %get3A_138 = arith.constant 0 : index
    %get3A_139 = arith.constant 4096 : index
    %get3A_140 = vector.load %arg16[%get3A_138, %get3A_139] : memref<64x8192xf32, #tpu.memory_space<vmem>>, vector<64x2048xf32>
    %dot_general3A_141 = arith.constant dense<0.000000e+00> : vector<2048x2048xf32>
    %dot_general3A_142 = tpu.matmul %add3A_78, %get3A_140, %dot_general3A_141 {dimension_numbers = #tpu.dot_dimension_numbers<[1], [0], [0], [1], [0, 0, 1, 1], [], []>, transpose_lhs_hint = false} : vector<2048x64xf32>, vector<64x2048xf32>, vector<2048x2048xf32> -> vector<2048x2048xf32>
    %sub3A_143 = vector.broadcast %broadcast_in_dim3A : vector<2048x1xf32> to vector<2048x2048xf32>
    %sub3A_144 = arith.subf %sub3A_143, %dot_general3A_142 : vector<2048x2048xf32>
    %get3A_145 = arith.constant 0 : index
    %get3A_146 = arith.constant 4096 : index
    %get3A_147 = vector.load %arg17[%get3A_145, %get3A_146] : memref<1x8192xf32, #tpu.memory_space<vmem>>, vector<1x2048xf32>
    %add3A_148 = vector.broadcast %get3A_147 : vector<1x2048xf32> to vector<2048x2048xf32>
    %add3A_149 = arith.addf %sub3A_144, %add3A_148 : vector<2048x2048xf32>
    %reduce_min3A_150 = arith.constant dense<0x7F800000> : vector<2048xf32>
    %reduce_min3A_151 = vector.multi_reduction <minimumf>, %add3A_149, %reduce_min3A_150 [1] : vector<2048x2048xf32> to vector<2048xf32>
    %broadcast_in_dim3A_152 = vector.shape_cast %reduce_min3A_151 : vector<2048xf32> to vector<2048x1xf32>
    %get3A_153 = arith.constant 0 : index
    %get3A_154 = arith.constant 4096 : index
    %get3A_155 = vector.load %arg18[%get3A_153, %get3A_154] : memref<1x8192xi32, #tpu.memory_space<vmem>>, vector<1x2048xi32>
    %eq3A_156 = vector.broadcast %broadcast_in_dim3A_152 : vector<2048x1xf32> to vector<2048x2048xf32>
    %eq3A_157 = arith.cmpf oeq, %add3A_149, %eq3A_156 : vector<2048x2048xf32>
    %jit3A_158 = arith.constant 2147483647 : i32
    %broadcast_in_dim3A_159 = vector.shape_cast %get3A_155 : vector<1x2048xi32> to vector<1x2048xi32>
    %broadcast_in_dim3A_160 = vector.broadcast %broadcast_in_dim3A_159 : vector<1x2048xi32> to vector<2048x2048xi32>
    %broadcast_in_dim3A_161 = vector.broadcast %jit3A_158 : i32 to vector<2048x2048xi32>
    %select_n3A_162 = arith.select %eq3A_157, %broadcast_in_dim3A_160, %broadcast_in_dim3A_161 : vector<2048x2048xi1>, vector<2048x2048xi32>
    %reduce_min3A_163 = arith.constant dense<2147483647> : vector<2048xi32>
    %reduce_min3A_164 = vector.multi_reduction <minsi>, %select_n3A_162, %reduce_min3A_163 [1] : vector<2048x2048xi32> to vector<2048xi32>
    %broadcast_in_dim3A_165 = vector.shape_cast %reduce_min3A_164 : vector<2048xi32> to vector<2048x1xi32>
    %get3A_166 = arith.constant 0 : index
    %get3A_167 = arith.constant 6144 : index
    %get3A_168 = vector.load %arg16[%get3A_166, %get3A_167] : memref<64x8192xf32, #tpu.memory_space<vmem>>, vector<64x2048xf32>
    %dot_general3A_169 = arith.constant dense<0.000000e+00> : vector<2048x2048xf32>
    %dot_general3A_170 = tpu.matmul %add3A_78, %get3A_168, %dot_general3A_169 {dimension_numbers = #tpu.dot_dimension_numbers<[1], [0], [0], [1], [0, 0, 1, 1], [], []>, transpose_lhs_hint = false} : vector<2048x64xf32>, vector<64x2048xf32>, vector<2048x2048xf32> -> vector<2048x2048xf32>
    %sub3A_171 = vector.broadcast %broadcast_in_dim3A : vector<2048x1xf32> to vector<2048x2048xf32>
    %sub3A_172 = arith.subf %sub3A_171, %dot_general3A_170 : vector<2048x2048xf32>
    %get3A_173 = arith.constant 0 : index
    %get3A_174 = arith.constant 6144 : index
    %get3A_175 = vector.load %arg17[%get3A_173, %get3A_174] : memref<1x8192xf32, #tpu.memory_space<vmem>>, vector<1x2048xf32>
    %add3A_176 = vector.broadcast %get3A_175 : vector<1x2048xf32> to vector<2048x2048xf32>
    %add3A_177 = arith.addf %sub3A_172, %add3A_176 : vector<2048x2048xf32>
    %reduce_min3A_178 = arith.constant dense<0x7F800000> : vector<2048xf32>
    %reduce_min3A_179 = vector.multi_reduction <minimumf>, %add3A_177, %reduce_min3A_178 [1] : vector<2048x2048xf32> to vector<2048xf32>
    %broadcast_in_dim3A_180 = vector.shape_cast %reduce_min3A_179 : vector<2048xf32> to vector<2048x1xf32>
    %get3A_181 = arith.constant 0 : index
    %get3A_182 = arith.constant 6144 : index
    %get3A_183 = vector.load %arg18[%get3A_181, %get3A_182] : memref<1x8192xi32, #tpu.memory_space<vmem>>, vector<1x2048xi32>
    %eq3A_184 = vector.broadcast %broadcast_in_dim3A_180 : vector<2048x1xf32> to vector<2048x2048xf32>
    %eq3A_185 = arith.cmpf oeq, %add3A_177, %eq3A_184 : vector<2048x2048xf32>
    %jit3A_186 = arith.constant 2147483647 : i32
    %broadcast_in_dim3A_187 = vector.shape_cast %get3A_183 : vector<1x2048xi32> to vector<1x2048xi32>
    %broadcast_in_dim3A_188 = vector.broadcast %broadcast_in_dim3A_187 : vector<1x2048xi32> to vector<2048x2048xi32>
    %broadcast_in_dim3A_189 = vector.broadcast %jit3A_186 : i32 to vector<2048x2048xi32>
    %select_n3A_190 = arith.select %eq3A_185, %broadcast_in_dim3A_188, %broadcast_in_dim3A_189 : vector<2048x2048xi1>, vector<2048x2048xi32>
    %reduce_min3A_191 = arith.constant dense<2147483647> : vector<2048xi32>
    %reduce_min3A_192 = vector.multi_reduction <minsi>, %select_n3A_190, %reduce_min3A_191 [1] : vector<2048x2048xi32> to vector<2048xi32>
    %broadcast_in_dim3A_193 = vector.shape_cast %reduce_min3A_192 : vector<2048xi32> to vector<2048x1xi32>
    %lt3A_194 = arith.cmpf olt, %broadcast_in_dim3A_180, %broadcast_in_dim3A_152 : vector<2048x1xf32>
    %select_n3A_195 = arith.select %lt3A_194, %broadcast_in_dim3A_180, %broadcast_in_dim3A_152 : vector<2048x1xi1>, vector<2048x1xf32>
    %select_n3A_196 = arith.select %lt3A_194, %broadcast_in_dim3A_193, %broadcast_in_dim3A_165 : vector<2048x1xi1>, vector<2048x1xi32>
    %lt3A_197 = arith.cmpf olt, %select_n3A_195, %convert_element_type3A_137 : vector<2048x1xf32>
    %select_n3A_198 = arith.select %lt3A_197, %select_n3A_196, %select_n3A_136 : vector<2048x1xi1>, vector<2048x1xi32>
    %swap3A_199 = arith.constant 0 : index
    %swap3A_200 = arith.constant 0 : index
    %swap3A_201 = vector.load %arg20[%swap3A_199, %swap3A_200] : memref<2048x1xi32, #tpu.memory_space<vmem>>, vector<2048x1xi32>
    tpu.vector_store %arg20[%swap3A_199, %swap3A_200], %select_n3A_198 {strides = array<i32>} : memref<2048x1xi32, #tpu.memory_space<vmem>>, vector<2048x1xi32>,
    return
  }
  func.func @transform_0(%arg0: i32) -> (i32, i32) {
    %c0_i32 = arith.constant 0 : i32
    %c0_i32_0 = arith.constant 0 : i32
    return %arg0, %c0_i32 : i32, i32
  }
  func.func @transform_1(%arg0: i32) -> (i32, i32) {
    %c0_i32 = arith.constant 0 : i32
    %c0_i32_0 = arith.constant 0 : i32
    %c0_i32_1 = arith.constant 0 : i32
    return %c0_i32, %c0_i32_0 : i32, i32
  }
  func.func @transform_2(%arg0: i32) -> (i32, i32) {
    %c0_i32 = arith.constant 0 : i32
    %c0_i32_0 = arith.constant 0 : i32
    %c0_i32_1 = arith.constant 0 : i32
    return %c0_i32, %c0_i32_0 : i32, i32
  }
  func.func @transform_3(%arg0: i32) -> (i32, i32) {
    %c0_i32 = arith.constant 0 : i32
    %c0_i32_0 = arith.constant 0 : i32
    %c0_i32_1 = arith.constant 0 : i32
    return %c0_i32, %c0_i32_0 : i32, i32
  }
  func.func @transform_4(%arg0: i32) -> (i32, i32) {
    %c0_i32 = arith.constant 0 : i32
    %c0_i32_0 = arith.constant 0 : i32
    %c0_i32_1 = arith.constant 0 : i32
    return %c0_i32, %c0_i32_0 : i32, i32
  }
  func.func @transform_5(%arg0: i32) -> (i32, i32) {
    %c0_i32 = arith.constant 0 : i32
    %c0_i32_0 = arith.constant 0 : i32
    %c0_i32_1 = arith.constant 0 : i32
    return %c0_i32, %c0_i32_0 : i32, i32
  }
  func.func @transform_6(%arg0: i32) -> (i32, i32) {
    %c0_i32 = arith.constant 0 : i32
    %c0_i32_0 = arith.constant 0 : i32
    %c0_i32_1 = arith.constant 0 : i32
    return %c0_i32, %c0_i32_0 : i32, i32
  }
  func.func @transform_7(%arg0: i32) -> (i32, i32) {
    %c0_i32 = arith.constant 0 : i32
    %c0_i32_0 = arith.constant 0 : i32
    %c0_i32_1 = arith.constant 0 : i32
    return %c0_i32, %c0_i32_0 : i32, i32
  }
  func.func @transform_8(%arg0: i32) -> (i32, i32) {
    %c0_i32 = arith.constant 0 : i32
    %c0_i32_0 = arith.constant 0 : i32
    %c0_i32_1 = arith.constant 0 : i32
    return %c0_i32, %c0_i32_0 : i32, i32
  }
  func.func @transform_9(%arg0: i32) -> (i32, i32) {
    %c0_i32 = arith.constant 0 : i32
    %c0_i32_0 = arith.constant 0 : i32
    %c0_i32_1 = arith.constant 0 : i32
    return %c0_i32, %c0_i32_0 : i32, i32
  }
  func.func @transform_10(%arg0: i32) -> (i32, i32) {
    %c0_i32 = arith.constant 0 : i32
    %c0_i32_0 = arith.constant 0 : i32
    %c0_i32_1 = arith.constant 0 : i32
    return %c0_i32, %c0_i32_0 : i32, i32
  }
  func.func @transform_11(%arg0: i32) -> (i32, i32) {
    %c0_i32 = arith.constant 0 : i32
    %c0_i32_0 = arith.constant 0 : i32
    %c0_i32_1 = arith.constant 0 : i32
    return %c0_i32, %c0_i32_0 : i32, i32
  }
  func.func @transform_12(%arg0: i32) -> (i32, i32) {
    %c0_i32 = arith.constant 0 : i32
    %c0_i32_0 = arith.constant 0 : i32
    %c0_i32_1 = arith.constant 0 : i32
    return %c0_i32, %c0_i32_0 : i32, i32
  }
  func.func @transform_13(%arg0: i32) -> (i32, i32) {
    %c0_i32 = arith.constant 0 : i32
    %c0_i32_0 = arith.constant 0 : i32
    %c0_i32_1 = arith.constant 0 : i32
    return %c0_i32, %c0_i32_0 : i32, i32
  }
  func.func @transform_14(%arg0: i32) -> (i32, i32) {
    %c0_i32 = arith.constant 0 : i32
    %c0_i32_0 = arith.constant 0 : i32
    %c0_i32_1 = arith.constant 0 : i32
    return %c0_i32, %c0_i32_0 : i32, i32
  }
  func.func @transform_15(%arg0: i32) -> (i32, i32) {
    %c0_i32 = arith.constant 0 : i32
    %c0_i32_0 = arith.constant 0 : i32
    %c0_i32_1 = arith.constant 0 : i32
    return %c0_i32, %c0_i32_0 : i32, i32
  }
  func.func @transform_16(%arg0: i32) -> (i32, i32) {
    %c0_i32 = arith.constant 0 : i32
    %c0_i32_0 = arith.constant 0 : i32
    %c0_i32_1 = arith.constant 0 : i32
    return %c0_i32, %c0_i32_0 : i32, i32
  }
  func.func @transform_17(%arg0: i32) -> (i32, i32) {
    %c0_i32 = arith.constant 0 : i32
    %c0_i32_0 = arith.constant 0 : i32
    %c0_i32_1 = arith.constant 0 : i32
    return %c0_i32, %c0_i32_0 : i32, i32
  }
  func.func @transform_18(%arg0: i32) -> (i32, i32) {
    %c0_i32 = arith.constant 0 : i32
    %c0_i32_0 = arith.constant 0 : i32
    return %arg0, %c0_i32 : i32, i32
  }
  func.func @transform_19(%arg0: i32) -> (i32, i32) {
    %c0_i32 = arith.constant 0 : i32
    %c0_i32_0 = arith.constant 0 : i32
    return %arg0, %c0_i32 : i32, i32
  }
}

module attributes {stable_mosaic.version = 14 : i64} {
  func.func @_dec_body(%arg0: i32, %arg1: memref<1024x64xf32, #tpu.memory_space<vmem>>, %arg2: memref<1024x64xf32, #tpu.memory_space<vmem>>, %arg3: memref<1024x512xf32, #tpu.memory_space<vmem>>, %arg4: memref<64x128xf32, #tpu.memory_space<vmem>>, %arg5: memref<1x128xf32, #tpu.memory_space<vmem>>, %arg6: memref<1x128xf32, #tpu.memory_space<vmem>>, %arg7: memref<1x128xf32, #tpu.memory_space<vmem>>, %arg8: memref<1x128xf32, #tpu.memory_space<vmem>>, %arg9: memref<1x128xf32, #tpu.memory_space<vmem>>, %arg10: memref<128x256xf32, #tpu.memory_space<vmem>>, %arg11: memref<1x256xf32, #tpu.memory_space<vmem>>, %arg12: memref<1x256xf32, #tpu.memory_space<vmem>>, %arg13: memref<1x256xf32, #tpu.memory_space<vmem>>, %arg14: memref<1x256xf32, #tpu.memory_space<vmem>>, %arg15: memref<1x256xf32, #tpu.memory_space<vmem>>, %arg16: memref<256x512xf32, #tpu.memory_space<vmem>>, %arg17: memref<1x512xf32, #tpu.memory_space<vmem>>, %arg18: memref<1024x512xf32, #tpu.memory_space<vmem>>, %arg19: memref<1x1xf32, #tpu.memory_space<smem>>, %arg20: memref<1x1xf32, #tpu.memory_space<smem>>) attributes {dimension_semantics = [#tpu.dimension_semantics<arbitrary>], iteration_bounds = array<i64: 16>, scalar_prefetch = 0 : i64, scratch_operands = 0 : i64, tpu.core_type = #tpu.core_type<tc>, window_params = [{transform_indices = @transform_0, window_bounds = array<i64: 1024, 64>}, {transform_indices = @transform_1, window_bounds = array<i64: 1024, 64>}, {transform_indices = @transform_2, window_bounds = array<i64: 1024, 512>}, {pipeline_mode = #tpu.pipeline_mode<synchronous>, transform_indices = @transform_3, window_bounds = array<i64: 64, 128>}, {pipeline_mode = #tpu.pipeline_mode<synchronous>, transform_indices = @transform_4, window_bounds = array<i64: 1, 128>}, {pipeline_mode = #tpu.pipeline_mode<synchronous>, transform_indices = @transform_5, window_bounds = array<i64: 1, 128>}, {pipeline_mode = #tpu.pipeline_mode<synchronous>, transform_indices = @transform_6, window_bounds = array<i64: 1, 128>}, {pipeline_mode = #tpu.pipeline_mode<synchronous>, transform_indices = @transform_7, window_bounds = array<i64: 1, 128>}, {pipeline_mode = #tpu.pipeline_mode<synchronous>, transform_indices = @transform_8, window_bounds = array<i64: 1, 128>}, {pipeline_mode = #tpu.pipeline_mode<synchronous>, transform_indices = @transform_9, window_bounds = array<i64: 128, 256>}, {pipeline_mode = #tpu.pipeline_mode<synchronous>, transform_indices = @transform_10, window_bounds = array<i64: 1, 256>}, {pipeline_mode = #tpu.pipeline_mode<synchronous>, transform_indices = @transform_11, window_bounds = array<i64: 1, 256>}, {pipeline_mode = #tpu.pipeline_mode<synchronous>, transform_indices = @transform_12, window_bounds = array<i64: 1, 256>}, {pipeline_mode = #tpu.pipeline_mode<synchronous>, transform_indices = @transform_13, window_bounds = array<i64: 1, 256>}, {pipeline_mode = #tpu.pipeline_mode<synchronous>, transform_indices = @transform_14, window_bounds = array<i64: 1, 256>}, {pipeline_mode = #tpu.pipeline_mode<synchronous>, transform_indices = @transform_15, window_bounds = array<i64: 256, 512>}, {pipeline_mode = #tpu.pipeline_mode<synchronous>, transform_indices = @transform_16, window_bounds = array<i64: 1, 512>}, {transform_indices = @transform_17, window_bounds = array<i64: 1024, 512>}, {transform_indices = @transform_18, window_bounds = array<i64: 1, 1>}, {transform_indices = @transform_19, window_bounds = array<i64: 1, 1>}]} {
    %get3A = arith.constant 0 : index
    %get3A_0 = arith.constant 0 : index
    %get3A_1 = vector.load %arg1[%get3A, %get3A_0] : memref<1024x64xf32, #tpu.memory_space<vmem>>, vector<1024x64xf32>
    %get3A_2 = arith.constant 0 : index
    %get3A_3 = arith.constant 0 : index
    %get3A_4 = vector.load %arg2[%get3A_2, %get3A_3] : memref<1024x64xf32, #tpu.memory_space<vmem>>, vector<1024x64xf32>
    %sub3A = arith.subf %get3A_1, %get3A_4 : vector<1024x64xf32>
    %mul3A = arith.mulf %sub3A, %sub3A : vector<1024x64xf32>
    %reduce_sum3A = vector.shape_cast %mul3A : vector<1024x64xf32> to vector<1x1024x64xf32>
    %reduce_sum3A_5 = arith.constant dense<0.000000e+00> : vector<1xf32>
    %reduce_sum3A_6 = vector.multi_reduction <add>, %reduce_sum3A, %reduce_sum3A_5 [1, 2] : vector<1x1024x64xf32> to vector<1xf32>
    %reduce_sum3A_7 = vector.shape_cast %reduce_sum3A_6 : vector<1xf32> to vector<1x1x1xf32>
    %reduce_sum3A_8 = vector.extract %reduce_sum3A_7[0, 0, 0] : f32 from vector<1x1x1xf32>
    %sub3A_9 = arith.subf %get3A_1, %get3A_4 : vector<1024x64xf32>
    %add3A = arith.addf %get3A_4, %sub3A_9 : vector<1024x64xf32>
    %get3A_10 = arith.constant 0 : index
    %get3A_11 = arith.constant 0 : index
    %get3A_12 = vector.load %arg4[%get3A_10, %get3A_11] : memref<64x128xf32, #tpu.memory_space<vmem>>, vector<64x128xf32>
    %dot_general3A = arith.constant dense<0.000000e+00> : vector<1024x128xf32>
    %dot_general3A_13 = tpu.matmul %add3A, %get3A_12, %dot_general3A {dimension_numbers = #tpu.dot_dimension_numbers<[1], [0], [0], [1], [0, 0, 1, 1], [], []>, transpose_lhs_hint = false} : vector<1024x64xf32>, vector<64x128xf32>, vector<1024x128xf32> -> vector<1024x128xf32>
    %get3A_14 = arith.constant 0 : index
    %get3A_15 = arith.constant 0 : index
    %get3A_16 = vector.load %arg5[%get3A_14, %get3A_15] : memref<1x128xf32, #tpu.memory_space<vmem>>, vector<1x128xf32>
    %add3A_17 = vector.broadcast %get3A_16 : vector<1x128xf32> to vector<1024x128xf32>
    %add3A_18 = arith.addf %dot_general3A_13, %add3A_17 : vector<1024x128xf32>
    %max3A = arith.constant 0.000000e+00 : f32
    %max3A_19 = vector.broadcast %max3A : f32 to vector<1024x128xf32>
    %max3A_20 = arith.maximumf %add3A_18, %max3A_19 : vector<1024x128xf32>
    %get3A_21 = arith.constant 0 : index
    %get3A_22 = arith.constant 0 : index
    %get3A_23 = vector.load %arg6[%get3A_21, %get3A_22] : memref<1x128xf32, #tpu.memory_space<vmem>>, vector<1x128xf32>
    %sub3A_24 = vector.broadcast %get3A_23 : vector<1x128xf32> to vector<1024x128xf32>
    %sub3A_25 = arith.subf %max3A_20, %sub3A_24 : vector<1024x128xf32>
    %get3A_26 = arith.constant 0 : index
    %get3A_27 = arith.constant 0 : index
    %get3A_28 = vector.load %arg7[%get3A_26, %get3A_27] : memref<1x128xf32, #tpu.memory_space<vmem>>, vector<1x128xf32>
    %add3A_29 = arith.constant 9.99999974E-6 : f32
    %add3A_30 = vector.broadcast %add3A_29 : f32 to vector<1x128xf32>
    %add3A_31 = arith.addf %get3A_28, %add3A_30 : vector<1x128xf32>
    %sqrt3A = math.sqrt %add3A_31 : vector<1x128xf32>
    %div3A = vector.broadcast %sqrt3A : vector<1x128xf32> to vector<1024x128xf32>
    %div3A_32 = arith.divf %sub3A_25, %div3A : vector<1024x128xf32>
    %get3A_33 = arith.constant 0 : index
    %get3A_34 = arith.constant 0 : index
    %get3A_35 = vector.load %arg8[%get3A_33, %get3A_34] : memref<1x128xf32, #tpu.memory_space<vmem>>, vector<1x128xf32>
    %mul3A_36 = vector.broadcast %get3A_35 : vector<1x128xf32> to vector<1024x128xf32>
    %mul3A_37 = arith.mulf %div3A_32, %mul3A_36 : vector<1024x128xf32>
    %get3A_38 = arith.constant 0 : index
    %get3A_39 = arith.constant 0 : index
    %get3A_40 = vector.load %arg9[%get3A_38, %get3A_39] : memref<1x128xf32, #tpu.memory_space<vmem>>, vector<1x128xf32>
    %add3A_41 = vector.broadcast %get3A_40 : vector<1x128xf32> to vector<1024x128xf32>
    %add3A_42 = arith.addf %mul3A_37, %add3A_41 : vector<1024x128xf32>
    %get3A_43 = arith.constant 0 : index
    %get3A_44 = arith.constant 0 : index
    %get3A_45 = vector.load %arg10[%get3A_43, %get3A_44] : memref<128x256xf32, #tpu.memory_space<vmem>>, vector<128x256xf32>
    %dot_general3A_46 = arith.constant dense<0.000000e+00> : vector<1024x256xf32>
    %dot_general3A_47 = tpu.matmul %add3A_42, %get3A_45, %dot_general3A_46 {dimension_numbers = #tpu.dot_dimension_numbers<[1], [0], [0], [1], [0, 0, 1, 1], [], []>, transpose_lhs_hint = false} : vector<1024x128xf32>, vector<128x256xf32>, vector<1024x256xf32> -> vector<1024x256xf32>
    %get3A_48 = arith.constant 0 : index
    %get3A_49 = arith.constant 0 : index
    %get3A_50 = vector.load %arg11[%get3A_48, %get3A_49] : memref<1x256xf32, #tpu.memory_space<vmem>>, vector<1x256xf32>
    %add3A_51 = vector.broadcast %get3A_50 : vector<1x256xf32> to vector<1024x256xf32>
    %add3A_52 = arith.addf %dot_general3A_47, %add3A_51 : vector<1024x256xf32>
    %max3A_53 = arith.constant 0.000000e+00 : f32
    %max3A_54 = vector.broadcast %max3A_53 : f32 to vector<1024x256xf32>
    %max3A_55 = arith.maximumf %add3A_52, %max3A_54 : vector<1024x256xf32>
    %get3A_56 = arith.constant 0 : index
    %get3A_57 = arith.constant 0 : index
    %get3A_58 = vector.load %arg12[%get3A_56, %get3A_57] : memref<1x256xf32, #tpu.memory_space<vmem>>, vector<1x256xf32>
    %sub3A_59 = vector.broadcast %get3A_58 : vector<1x256xf32> to vector<1024x256xf32>
    %sub3A_60 = arith.subf %max3A_55, %sub3A_59 : vector<1024x256xf32>
    %get3A_61 = arith.constant 0 : index
    %get3A_62 = arith.constant 0 : index
    %get3A_63 = vector.load %arg13[%get3A_61, %get3A_62] : memref<1x256xf32, #tpu.memory_space<vmem>>, vector<1x256xf32>
    %add3A_64 = arith.constant 9.99999974E-6 : f32
    %add3A_65 = vector.broadcast %add3A_64 : f32 to vector<1x256xf32>
    %add3A_66 = arith.addf %get3A_63, %add3A_65 : vector<1x256xf32>
    %sqrt3A_67 = math.sqrt %add3A_66 : vector<1x256xf32>
    %div3A_68 = vector.broadcast %sqrt3A_67 : vector<1x256xf32> to vector<1024x256xf32>
    %div3A_69 = arith.divf %sub3A_60, %div3A_68 : vector<1024x256xf32>
    %get3A_70 = arith.constant 0 : index
    %get3A_71 = arith.constant 0 : index
    %get3A_72 = vector.load %arg14[%get3A_70, %get3A_71] : memref<1x256xf32, #tpu.memory_space<vmem>>, vector<1x256xf32>
    %mul3A_73 = vector.broadcast %get3A_72 : vector<1x256xf32> to vector<1024x256xf32>
    %mul3A_74 = arith.mulf %div3A_69, %mul3A_73 : vector<1024x256xf32>
    %get3A_75 = arith.constant 0 : index
    %get3A_76 = arith.constant 0 : index
    %get3A_77 = vector.load %arg15[%get3A_75, %get3A_76] : memref<1x256xf32, #tpu.memory_space<vmem>>, vector<1x256xf32>
    %add3A_78 = vector.broadcast %get3A_77 : vector<1x256xf32> to vector<1024x256xf32>
    %add3A_79 = arith.addf %mul3A_74, %add3A_78 : vector<1024x256xf32>
    %get3A_80 = arith.constant 0 : index
    %get3A_81 = arith.constant 0 : index
    %get3A_82 = vector.load %arg16[%get3A_80, %get3A_81] : memref<256x512xf32, #tpu.memory_space<vmem>>, vector<256x512xf32>
    %dot_general3A_83 = arith.constant dense<0.000000e+00> : vector<1024x512xf32>
    %dot_general3A_84 = tpu.matmul %add3A_79, %get3A_82, %dot_general3A_83 {dimension_numbers = #tpu.dot_dimension_numbers<[1], [0], [0], [1], [0, 0, 1, 1], [], []>, transpose_lhs_hint = false} : vector<1024x256xf32>, vector<256x512xf32>, vector<1024x512xf32> -> vector<1024x512xf32>
    %get3A_85 = arith.constant 0 : index
    %get3A_86 = arith.constant 0 : index
    %get3A_87 = vector.load %arg17[%get3A_85, %get3A_86] : memref<1x512xf32, #tpu.memory_space<vmem>>, vector<1x512xf32>
    %add3A_88 = vector.broadcast %get3A_87 : vector<1x512xf32> to vector<1024x512xf32>
    %add3A_89 = arith.addf %dot_general3A_84, %add3A_88 : vector<1024x512xf32>
    %get3A_90 = arith.constant 0 : index
    %get3A_91 = arith.constant 0 : index
    %get3A_92 = vector.load %arg3[%get3A_90, %get3A_91] : memref<1024x512xf32, #tpu.memory_space<vmem>>, vector<1024x512xf32>
    %sub3A_93 = arith.subf %add3A_89, %get3A_92 : vector<1024x512xf32>
    %integer_pow3A = arith.mulf %sub3A_93, %sub3A_93 : vector<1024x512xf32>
    %reduce_sum3A_94 = vector.shape_cast %integer_pow3A : vector<1024x512xf32> to vector<1x1024x512xf32>
    %reduce_sum3A_95 = arith.constant dense<0.000000e+00> : vector<1xf32>
    %reduce_sum3A_96 = vector.multi_reduction <add>, %reduce_sum3A_94, %reduce_sum3A_95 [1, 2] : vector<1x1024x512xf32> to vector<1xf32>
    %reduce_sum3A_97 = vector.shape_cast %reduce_sum3A_96 : vector<1xf32> to vector<1x1x1xf32>
    %reduce_sum3A_98 = vector.extract %reduce_sum3A_97[0, 0, 0] : f32 from vector<1x1x1xf32>
    %swap3A = arith.constant 0 : index
    %swap3A_99 = arith.constant 0 : index
    %swap3A_100 = vector.load %arg18[%swap3A, %swap3A_99] : memref<1024x512xf32, #tpu.memory_space<vmem>>, vector<1024x512xf32>
    tpu.vector_store %arg18[%swap3A, %swap3A_99], %add3A_89 {strides = array<i32>} : memref<1024x512xf32, #tpu.memory_space<vmem>>, vector<1024x512xf32>,
    %eq3A = arith.constant 0 : i32
    %eq3A_101 = arith.cmpi eq, %arg0, %eq3A : i32
    %convert_element_type3A = arith.extui %eq3A_101 : i1 to i32
    %cond3A = arith.constant 0 : i32
    %cond3A_102 = arith.cmpi ne, %convert_element_type3A, %cond3A : i32
    scf.if %cond3A_102 {
      %swap3A_117 = arith.constant 0.000000e+00 : f32
      %swap3A_118 = arith.constant 0 : index
      %swap3A_119 = arith.constant 0 : index
      %swap3A_120 = memref.load %arg19[%swap3A_118, %swap3A_119] : memref<1x1xf32, #tpu.memory_space<smem>>
      memref.store %swap3A_117, %arg19[%swap3A_118, %swap3A_119] : memref<1x1xf32, #tpu.memory_space<smem>>
      %swap3A_121 = arith.constant 0.000000e+00 : f32
      %swap3A_122 = arith.constant 0 : index
      %swap3A_123 = arith.constant 0 : index
      %swap3A_124 = memref.load %arg20[%swap3A_122, %swap3A_123] : memref<1x1xf32, #tpu.memory_space<smem>>
      memref.store %swap3A_121, %arg20[%swap3A_122, %swap3A_123] : memref<1x1xf32, #tpu.memory_space<smem>>
    } else {
    }
    %get3A_103 = arith.constant 0 : index
    %get3A_104 = arith.constant 0 : index
    %get3A_105 = memref.load %arg19[%get3A_103, %get3A_104] : memref<1x1xf32, #tpu.memory_space<smem>>
    %add3A_106 = arith.addf %get3A_105, %reduce_sum3A_8 : f32
    %swap3A_107 = arith.constant 0 : index
    %swap3A_108 = arith.constant 0 : index
    %swap3A_109 = memref.load %arg19[%swap3A_107, %swap3A_108] : memref<1x1xf32, #tpu.memory_space<smem>>
    memref.store %add3A_106, %arg19[%swap3A_107, %swap3A_108] : memref<1x1xf32, #tpu.memory_space<smem>>
    %get3A_110 = arith.constant 0 : index
    %get3A_111 = arith.constant 0 : index
    %get3A_112 = memref.load %arg20[%get3A_110, %get3A_111] : memref<1x1xf32, #tpu.memory_space<smem>>
    %add3A_113 = arith.addf %get3A_112, %reduce_sum3A_98 : f32
    %swap3A_114 = arith.constant 0 : index
    %swap3A_115 = arith.constant 0 : index
    %swap3A_116 = memref.load %arg20[%swap3A_114, %swap3A_115] : memref<1x1xf32, #tpu.memory_space<smem>>
    memref.store %add3A_113, %arg20[%swap3A_114, %swap3A_115] : memref<1x1xf32, #tpu.memory_space<smem>>
    return
  }
  func.func @transform_0(%arg0: i32) -> (i32, i32) {
    %c0_i32 = arith.constant 0 : i32
    %c0_i32_0 = arith.constant 0 : i32
    return %arg0, %c0_i32 : i32, i32
  }
  func.func @transform_1(%arg0: i32) -> (i32, i32) {
    %c0_i32 = arith.constant 0 : i32
    %c0_i32_0 = arith.constant 0 : i32
    return %arg0, %c0_i32 : i32, i32
  }
  func.func @transform_2(%arg0: i32) -> (i32, i32) {
    %c0_i32 = arith.constant 0 : i32
    %c0_i32_0 = arith.constant 0 : i32
    return %arg0, %c0_i32 : i32, i32
  }
  func.func @transform_3(%arg0: i32) -> (i32, i32) {
    %c0_i32 = arith.constant 0 : i32
    %c0_i32_0 = arith.constant 0 : i32
    %c0_i32_1 = arith.constant 0 : i32
    return %c0_i32, %c0_i32_0 : i32, i32
  }
  func.func @transform_4(%arg0: i32) -> (i32, i32) {
    %c0_i32 = arith.constant 0 : i32
    %c0_i32_0 = arith.constant 0 : i32
    %c0_i32_1 = arith.constant 0 : i32
    return %c0_i32, %c0_i32_0 : i32, i32
  }
  func.func @transform_5(%arg0: i32) -> (i32, i32) {
    %c0_i32 = arith.constant 0 : i32
    %c0_i32_0 = arith.constant 0 : i32
    %c0_i32_1 = arith.constant 0 : i32
    return %c0_i32, %c0_i32_0 : i32, i32
  }
  func.func @transform_6(%arg0: i32) -> (i32, i32) {
    %c0_i32 = arith.constant 0 : i32
    %c0_i32_0 = arith.constant 0 : i32
    %c0_i32_1 = arith.constant 0 : i32
    return %c0_i32, %c0_i32_0 : i32, i32
  }
  func.func @transform_7(%arg0: i32) -> (i32, i32) {
    %c0_i32 = arith.constant 0 : i32
    %c0_i32_0 = arith.constant 0 : i32
    %c0_i32_1 = arith.constant 0 : i32
    return %c0_i32, %c0_i32_0 : i32, i32
  }
  func.func @transform_8(%arg0: i32) -> (i32, i32) {
    %c0_i32 = arith.constant 0 : i32
    %c0_i32_0 = arith.constant 0 : i32
    %c0_i32_1 = arith.constant 0 : i32
    return %c0_i32, %c0_i32_0 : i32, i32
  }
  func.func @transform_9(%arg0: i32) -> (i32, i32) {
    %c0_i32 = arith.constant 0 : i32
    %c0_i32_0 = arith.constant 0 : i32
    %c0_i32_1 = arith.constant 0 : i32
    return %c0_i32, %c0_i32_0 : i32, i32
  }
  func.func @transform_10(%arg0: i32) -> (i32, i32) {
    %c0_i32 = arith.constant 0 : i32
    %c0_i32_0 = arith.constant 0 : i32
    %c0_i32_1 = arith.constant 0 : i32
    return %c0_i32, %c0_i32_0 : i32, i32
  }
  func.func @transform_11(%arg0: i32) -> (i32, i32) {
    %c0_i32 = arith.constant 0 : i32
    %c0_i32_0 = arith.constant 0 : i32
    %c0_i32_1 = arith.constant 0 : i32
    return %c0_i32, %c0_i32_0 : i32, i32
  }
  func.func @transform_12(%arg0: i32) -> (i32, i32) {
    %c0_i32 = arith.constant 0 : i32
    %c0_i32_0 = arith.constant 0 : i32
    %c0_i32_1 = arith.constant 0 : i32
    return %c0_i32, %c0_i32_0 : i32, i32
  }
  func.func @transform_13(%arg0: i32) -> (i32, i32) {
    %c0_i32 = arith.constant 0 : i32
    %c0_i32_0 = arith.constant 0 : i32
    %c0_i32_1 = arith.constant 0 : i32
    return %c0_i32, %c0_i32_0 : i32, i32
  }
  func.func @transform_14(%arg0: i32) -> (i32, i32) {
    %c0_i32 = arith.constant 0 : i32
    %c0_i32_0 = arith.constant 0 : i32
    %c0_i32_1 = arith.constant 0 : i32
    return %c0_i32, %c0_i32_0 : i32, i32
  }
  func.func @transform_15(%arg0: i32) -> (i32, i32) {
    %c0_i32 = arith.constant 0 : i32
    %c0_i32_0 = arith.constant 0 : i32
    %c0_i32_1 = arith.constant 0 : i32
    return %c0_i32, %c0_i32_0 : i32, i32
  }
  func.func @transform_16(%arg0: i32) -> (i32, i32) {
    %c0_i32 = arith.constant 0 : i32
    %c0_i32_0 = arith.constant 0 : i32
    %c0_i32_1 = arith.constant 0 : i32
    return %c0_i32, %c0_i32_0 : i32, i32
  }
  func.func @transform_17(%arg0: i32) -> (i32, i32) {
    %c0_i32 = arith.constant 0 : i32
    %c0_i32_0 = arith.constant 0 : i32
    return %arg0, %c0_i32 : i32, i32
  }
  func.func @transform_18(%arg0: i32) -> (i32, i32) {
    %c0_i32 = arith.constant 0 : i32
    %c0_i32_0 = arith.constant 0 : i32
    %c0_i32_1 = arith.constant 0 : i32
    return %c0_i32, %c0_i32_0 : i32, i32
  }
  func.func @transform_19(%arg0: i32) -> (i32, i32) {
    %c0_i32 = arith.constant 0 : i32
    %c0_i32_0 = arith.constant 0 : i32
    %c0_i32_1 = arith.constant 0 : i32
    return %c0_i32, %c0_i32_0 : i32, i32
  }
}

</mosaic_0001>

<sc_bundles>
// kernel: kernel.5.cloned.1.call-start
scs
__scs_entry_jumppad:
0x0: {  	(pc) =	sbr.rel $0x88, $3  }
0x1: {  	(tag) =	ssettag $0x0;
	lr =	simm.s32 $0x1  }
0x2: {  	[smem:$0x3F83] =	sst lr;
	_ =	strace $0xD0000000  }
0x3: {  	_ = 	snop  }
0x4: {  	_ = 	snop  }
0x5: {  	_ = 	snop  }
0x6: {  	_ = 	snop  }
0x7: {  	_ = 	snop  }
__scs_overlays_trampoline_lowered:
0x8: {  	[smem:$0x3F92] =	sst s0  }
0x9: {  	[smem:$0x3F93] =	sst s1  }
0xa: {  	[smem:$0x3F94] =	sst s2  }
0xb: {  	[smem:$0x3F95] =	sst s3  }
0xc: {  	[smem:$0x3F96] =	sst s4  }
0xd: {  	[smem:$0x3F97] =	sst s5  }
0xe: {  	[smem:$0x3F98] =	sst s6  }
0xf: {  	[smem:$0x3F99] =	sst s7  }
0x10: {  	[smem:$0x3F9A] =	sst s8  }
0x11: {  	[smem:$0x3F9B] =	sst s9;
	s0 =	simm.s32 @!p0 $0x0  }
0x12: {  	s1 =	sld [smem:$0x3F81];
	s0 =	simm.s32 @p0 $0x1  }
0x13: {  	[smem:$0x3F9C] =	sst s0;
	s0 =	simm.s32 @!p1 $0x0  }
0x14: {  	s2 =	sld [smem:$0x3F80];
	s0 =	simm.s32 @p1 $0x1  }
0x15: {  	[smem:$0x3F9D] =	sst s0;
	s0 =	simm.s32 @!p2 $0x0  }
0x16: {  	s3 =	sld [smem:$0x3FDB];
	s0 =	simm.s32 @p2 $0x1  }
0x17: {  	s4 =	simm.s32 $0x1BF5;
	[smem:$0x3F9F] =	sst s0  }
0x18: {  	s0 =	sld [smem:$0x3F82];
	_ =	swait.ge [sflag:s4], $0x0  }
0x19: {  	s7 =	sld [smem:$0x3F83]  }
0x1a: {  	s8 =	sadd.s32 $0xFFFFE003, lr  }
0x1b: {  	s9 =	sadd.s32 $0xFFFFFEF7, lr;
	s5 =	simm.s32 $0xFFFFFFFF;
	p2 =	slt.u32 s8, $0xFFFFF086  }
0x1c: {  	p1 =	slt.u32 s9, $0xF7A;
	s5 =	simm.s32 @!p2 $0x0  }
0x1d: {  	s5 =	simm.s32 @p1 $0x1;
	p0 =	seq.s32 s7, s2  }
0x1e: {  	s7 =	smul.u32 @!p0 $0xF7A, s2;
	p2 =	seq.s32 @!p0 s5, $0x0  }
0x1f: {  	s9 =	smul.u32 $0xF7A, s1;
	s8 =	simm.s32 @!p0 $0x1BF5;
	p2 =	por !p2, p0  }
0x20: {  	[sflag:s8] =	ssyncset.s32 @!p0 $0xFFFFF086;
	s6 =	sadd.s32 @!p0 s3, s7;
	s7 =	simm.s32 @!p0 $0x108  }
0x21: {  	s3 =	sadd.s32 s3, s9;
	s6 =	sadd.s32 @!p0 $0x88, s6;
	s7 =	simm.s32 @p2 $0x1082  }
0x22: {  	[simem:s7], [sflag:s8] =	dma.local @!p0 [hbm:s6], $0xF7A  }
0x23: {  	s9 =	sor.u32 $0xD0000000, s2;
	s6 =	simm.s32 $0x108;
	_ =	swait.ge @!p0 [sflag:s8], $0x0  }
0x24: {  	s3 =	sadd.s32 $0x88, s3;
	s6 =	simm.s32 @!p1 $0x1082;
	[sflag:s4] =	ssyncset.s32 $0xFFFFF086  }
0x25: {  	[simem:s6], [sflag:s4] =	dma.local [hbm:s3], $0xF7A  }
0x26: {  	[smem:$0x3F83] =	sst s1;
	(tag) =	ssettag s2;
	_ =	strace s9  }
0x27: {  	s1 =	sld [smem:$0x3F93]  }
0x28: {  	s2 =	sld [smem:$0x3F94]  }
0x29: {  	s4 =	sld [smem:$0x3F96]  }
0x2a: {  	p0 =	seq.s32 s5, $0x0;
	s5 =	sld [smem:$0x3F97]  }
0x2b: {  	s6 =	sld [smem:$0x3F98]  }
0x2c: {  	s7 =	sld [smem:$0x3F99]  }
0x2d: {  	s3 =	simm.s32 $0x108;
	s8 =	sld [smem:$0x3F9A]  }
0x2e: {  	s3 =	simm.s32 @!p0 $0x1082;
	s9 =	sld [smem:$0x3F9B]  }
0x2f: {  	lr =	sadd.s32 s0, s3;
	s0 =	sld [smem:$0x3F92]  }
0x30: {  	s3 =	sld [smem:$0x3F95]  }
0x31: {  	[smem:$0x3F9E] =	sst s10  }
0x32: {  	s10 =	sld [smem:$0x3F9C];
	_ =	sdelay $0x3  }
0x33: {  	p0 =	seq.s32 s10, $0x1;
	s10 =	sld [smem:$0x3F9E];
	_ =	sdelay $0x3  }
0x34: {  	[smem:$0x3F9E] =	sst s10  }
0x35: {  	s10 =	sld [smem:$0x3F9D];
	_ =	sdelay $0x3  }
0x36: {  	p1 =	seq.s32 s10, $0x1;
	s10 =	sld [smem:$0x3F9E];
	_ =	sdelay $0x3  }
0x37: {  	[smem:$0x3F9E] =	sst s10  }
0x38: {  	s10 =	sld [smem:$0x3F9F]  }
0x39: {  	_ = 	snop;
	(pc) =	sbr.ind lr, $3  }
0x3a: {  	_ = 	snop  }
0x3b: {  	_ = 	snop  }
0x3c: {  	p2 =	seq.s32 s10, $0x1;
	s10 =	sld [smem:$0x3F9E]  }
0x3d: {  	_ =	shalt  }
0x3e: {  	_ =	shalt  }
0x3f: {  	_ =	shalt  }
0x40: {  	_ =	shalt  }
0x41: {  	_ =	shalt  }
0x42: {  	_ =	shalt  }
0x43: {  	_ =	shalt  }
0x44: {  	_ =	shalt  }
0x45: {  	_ =	shalt  }
0x46: {  	_ =	shalt  }
0x47: {  	_ =	shalt  }
0x48: {  	_ =	shalt  }
0x49: {  	_ =	shalt  }
0x4a: {  	_ =	shalt  }
0x4b: {  	_ =	shalt  }
0x4c: {  	_ =	shalt  }
0x4d: {  	_ =	shalt  }
0x4e: {  	_ =	shalt  }
0x4f: {  	_ =	shalt  }
0x50: {  	_ =	shalt  }
0x51: {  	_ =	shalt  }
0x52: {  	_ =	shalt  }
0x53: {  	_ =	shalt  }
0x54: {  	_ =	shalt  }
0x55: {  	_ =	shalt  }
0x56: {  	_ =	shalt  }
0x57: {  	_ =	shalt  }
0x58: {  	_ =	shalt  }
0x59: {  	_ =	shalt  }
0x5a: {  	_ =	shalt  }
0x5b: {  	_ =	shalt  }
0x5c: {  	_ =	shalt  }
0x5d: {  	_ =	shalt  }
0x5e: {  	_ =	shalt  }
0x5f: {  	_ =	shalt  }
0x60: {  	_ =	shalt  }
0x61: {  	_ =	shalt  }
0x62: {  	_ =	shalt  }
0x63: {  	_ =	shalt  }
0x64: {  	_ =	shalt  }
0x65: {  	_ =	shalt  }
0x66: {  	_ =	shalt  }
0x67: {  	_ =	shalt  }
0x68: {  	_ =	shalt  }
0x69: {  	_ =	shalt  }
0x6a: {  	_ =	shalt  }
0x6b: {  	_ =	shalt  }
0x6c: {  	_ =	shalt  }
0x6d: {  	_ =	shalt  }
0x6e: {  	_ =	shalt  }
0x6f: {  	_ =	shalt  }
0x70: {  	_ =	shalt  }
0x71: {  	_ =	shalt  }
0x72: {  	_ =	shalt  }
0x73: {  	_ =	shalt  }
0x74: {  	_ =	shalt  }
0x75: {  	_ =	shalt  }
0x76: {  	_ =	shalt  }
0x77: {  	_ =	shalt  }
0x78: {  	_ =	shalt  }
0x79: {  	_ =	shalt  }
0x7a: {  	_ =	shalt  }
0x7b: {  	_ =	shalt  }
0x7c: {  	_ =	shalt  }
0x7d: {  	_ =	shalt  }
0x7e: {  	_ =	shalt  }
0x7f: {  	_ =	shalt  }
0x80: {  	_ =	shalt  }
0x81: {  	_ =	shalt  }
0x82: {  	_ =	shalt  }
0x83: {  	_ =	shalt  }
0x84: {  	_ =	shalt  }
0x85: {  	_ =	shalt  }
0x86: {  	_ =	shalt  }
0x87: {  	_ =	shalt  }
.Lfunc_end0:
.L_simem_size_0:
called_computation_lowered:
.L_overlay_start_0:
0x88: {  	s2 =	sld [smem:$0x3FD9]  }
0x89: {  	s3 =	sld [smem:$0x3FFE];
	_ =	sdelay $0x1  }
0x8a: {  	s1 =	srdreg.scid  }
0x8b: {  	s0 =	sand.u32 $0x1, s1  }
0x8c: {  	s14 =	sshll.u32 s0, $0xA;
	s2 =	sadd.s32 s3, s2  }
0x8d: {  	s2 =	sadd.s32 s2, s14  }
0x8e: {  	[smem:$0x3FAA] =	sst s2  }
0x8f: {  	_ = 	snop  }
0x90: {  	s2 =	sld [smem:$0x3FD0];
	_ =	sdelay $0x2  }
0x91: {  	s15 =	simm.s32 $0xA;
	s4 =	simm.s32 $0x10  }
0x92: {  	[smem:s4], [sflag:s15] =	dma.local [hbm:s2], $0x1  }
0x93: {  	_ =	swait.eq [sflag:s15], $0x1  }
0x94: {  	[sflag:s15] =	ssyncset.done $0x0  }
0x95: {  	s16 =	sld [smem:$0x10];
	[sflag:s15] =	ssyncadd.s32 $0xFFFFFFFF  }
0x96: {  	s17 =	sld [smem:$0x12];
	(tm) =	ssettm $0x1  }
0x97: {  	s18 =	sld [smem:$0x3FFB];
	_ =	sdelay $0x3  }
0x98: {  	_ =	strace s18  }
0x99: {  	s4 =	sld [smem:$0x3FFC];
	_ =	sdelay $0x3  }
0x9a: {  	_ =	strace s4  }
0x9b: {  	s4 =	sld [smem:$0x3FFD];
	_ =	sdelay $0x3  }
0x9c: {  	_ =	strace s4  }
0x9d: {  	_ =	strace $0x8FFFFFFF  }
0x9e: {  	s19 =	sld [smem:$0x3FDB];
	_ =	sdelay $0x1  }
0x9f: {  	s5 =	simm.s32 $_scs_section_size  }
0xa0: {  	s6 =	simm.s32 $_size__tile_overlayer_lowered;
	s7 =	simm.s32 $_tile_overlayer_lowered  }
0xa1: {  	s22 =	simm.s32 $0x1BFF;
	s21 =	sshll.u32 s7, $0x1;
	s4 =	sadd.s32 s5, s19  }
0xa2: {  	s8 =	simm.s32 $0x0;
	s20 =	sshll.u32 s6, $0x1;
	s6 =	sadd.s32 s21, s4  }
0xa3: {  	[timem:s8], [sflag:s22] =	dma.local [hbm:s6], s20  }
0xa4: {  	_ =	swait.ge [sflag:s22], s20  }
0xa5: {  	s5 =	ssub.s32 $0x0, s20;
	[sflag:s22] =	ssyncset.done $0x0  }
0xa6: {  	[sflag:s22] =	ssyncadd.s32 s5;
	_ =	sdelay $0x1  }
0xa7: {  	s23 =	simm.s32 $0x1B8B  }
0xa8: {  	_ =	swait.ge [sflag:s23], $0x1  }
0xa9: {  	[sflag:s23] =	ssyncset.done $0x0  }
0xaa: {  	s25 =	simm.s32 $0x1B8E;
	s24 =	sld [smem:$0x3FFE];
	[sflag:s23] =	ssyncadd.s32 $0xFFFFFFFF  }
0xab: {  	s26 =	simm.s32 $execute0_lowered;
	[smem:$0x3FD2] =	sst s25  }
0xac: {  	s6 =	sshll.u32 s26, $0x1;
	_ =	strace $0x80000046;
	[dreg:$0x1] =	wrdreg $0xFFFFFFFF  }
0xad: {  	s28 =	simm.s32 $_size_execute0_lowered;
	s4 =	sadd.s32 s4, s6;
	[dreg:$0x0] =	wrdreg $0x0  }
0xae: {  	s6 =	sshll.u32 s28, $0x1;
	[dreg:$0x2] =	wrdreg s4  }
0xaf: {  	[dreg:$0x3] =	wrdreg s6  }
0xb0: {  	[dreg:$0x4] =	wrdreg $0xC0  }
0xb1: {  	_ =	task [dreg:s8], $0x5FFFF  }
0xb2: {  	[dreg:$0x1] =	wrdreg $0xFFFFFFFF  }
0xb3: {  	[dreg:$0x0] =	wrdreg $0x60  }
0xb4: {  	[dreg:$0x2] =	wrdreg s24  }
0xb5: {  	[dreg:$0x3] =	wrdreg s17  }
0xb6: {  	[dreg:$0x4] =	wrdreg s16  }
0xb7: {  	[dreg:$0x5] =	wrdreg $0x9  }
0xb8: {  	_ =	task.clear_ibuf [dreg:s8], $0x6FFFF;
	_ =	strace $0x90000046  }
0xb9: {  	s29 =	simm.s32 $0x9;
	_ =	strace $0x80000048  }
0xba: {  	_ =	swait.ge [sflag:s29], $0x1  }
0xbb: {  	[sflag:s29] =	ssyncadd.s32 $0xFFFFFFFF  }
0xbc: {  	_ =	strace $0x90000048  }
0xbd: {  	_ =	sfence  }
0xbe: {  	s30 =	sld [smem:$0x0];
	_ =	sdelay $0x2  }
0xbf: {  	s31 =	sshll.u32 s1, $0xD;
	s1 =	sshrl.u32 s1, $0x2  }
0xc0: {  	s3 =	sand.u32 $0x4000, s31;
	s1 =	sadd.s32 s1, s30  }
0xc1: {  	s0 =	sor.u32 s3, s0;
	s1 =	sshll.u32 s1, $0x11  }
0xc2: {  	s0 =	sor.u32 s1, s0  }
0xc3: {  	s0 =	sadd.s32 $0x8F2B, s0  }
0xc4: {  	[sflag:s0] =	ssyncadd.remote.s32 $0x1  }
0xc5: {  	_ =	sfence.sel $0xFFFF  }
0xc6: {  	[dreg:$0x0] =	wrdreg $0xFFFFFFFF;
	(pc) =	sbr.abs _section_cstart, $3  }
0xc7: {  	[dreg:$0x1] =	wrdreg $0xFFFFFFFF  }
0xc8: {  	_ =	task.clear_ibuf [dreg:s8], $0x2FFFF;
	_ =	strace $0x9FFFFFFF  }
0xc9: {  	(tm) =	ssettm $0x7FFFFFFF  }
tec
execute0_lowered:
.L_overlay_start_1:
0x0: {  	(tag) =	ssettag $0x1  }
0x1: {  	s5 =	rddreg [dreg:$0x0]  }
0x2: {  	s3 =	rddreg [dreg:$0x1]  }
0x3: {  	s1 =	srdreg.scid;
	s0 =	stileid.u32  }
0x4: {  	s14 =	rddreg [dreg:$0x2];
	s15 =	sand.u32 $0x1, s1;
	s4 =	sshll.u32 s0, $0x1  }
0x5: {  	s2 =	simm.s32 $0x0;
	s1 =	rddreg [dreg:$0x3];
	s16 =	sor.u32 s15, s4  }
0x6: {  	[smem:$0x7FF] =	sst s2;
	s4 =	sshll.u32 s16, $0x6  }
0x7: {  	_ =	strace $0x80000047;
	s4 =	sadd.s32 s3, s4;
	s3 =	simm.s32 $0x2  }
0x8: {  	[tilespmem:s2], [sflag:$0x2] =	stream.linear.gather [hbm4b:s4+s2], $0x200, $0x38;
	[tilespmem:$0x8200] =	vst v63  }
0x9: {  	_ =	swait.ge [sflag:s3], $0x200  }
0xa: {  	s6 =	simm.s32 $0x80;
	[sflag:s3] =	ssyncset.done $0x0  }
0xb: {  	s7 =	simm.s32 $0x200;
	s5 =	sadd.s32 $0x3A00, s5;
	[sflag:s3] =	ssyncadd.s32 $0xFFFFFE00  }
0xc: {  	[tilespmem:s7], [sflag:$0x1] =	stream.indirect.gather [hbm4b:s5+s6], $0x40, s2, s6, $0xb8;
	[tilespmem:$0x8200] =	vst v63  }
0xd: {  	s8 =	simm.s32 $0x2200  }
0xe: {  	[tilespmem:s8], [sflag:$0x1] =	stream.indirect.gather [hbm4b:s5+s6], $0x40, s6, s6, $0xb8;
	[tilespmem:$0x8200] =	vst v63  }
0xf: {  	s9 =	simm.s32 $0x100;
	s10 =	simm.s32 $0x4200  }
0x10: {  	[tilespmem:s10], [sflag:$0x1] =	stream.indirect.gather [hbm4b:s5+s6], $0x40, s9, s6, $0xb8;
	[tilespmem:$0x8200] =	vst v63  }
0x11: {  	s11 =	simm.s32 $0x180;
	s12 =	simm.s32 $0x6200;
	s13 =	simm.s32 $0x1  }
0x12: {  	[tilespmem:s12], [sflag:$0x1] =	stream.indirect.gather [hbm4b:s5+s6], $0x40, s11, s6, $0xb8;
	[tilespmem:$0x8200] =	vst v63  }
0x13: {  	_ =	swait.ge [sflag:s13], $0x2000  }
0x14: {  	[sflag:s13] =	ssyncset.done $0x0  }
0x15: {  	[sflag:s13] =	ssyncadd.s32 $0xFFFFE000  }
0x16: {  	_ =	swait.ge [sflag:s13], $0x2000  }
0x17: {  	[sflag:s13] =	ssyncset.done $0x0  }
0x18: {  	s15 =	ssub.s32 $0x2, s15;
	[sflag:s13] =	ssyncadd.s32 $0xFFFFE000  }
0x19: {  	s17 =	sshrl.u32 s15, $0x1;
	_ =	swait.ge [sflag:s13], $0x2000  }
0x1a: {  	s15 =	ssub.s32 s15, s17;
	[sflag:s13] =	ssyncset.done $0x0  }
0x1b: {  	s15 =	smax.u32 s15, $0x1;
	[sflag:s13] =	ssyncadd.s32 $0xFFFFE000  }
0x1c: {  	p0 =	sne.s32 s15, $0x1;
	_ =	swait.ge [sflag:s13], $0x2000  }
.Ltmp0:
0x1d: {  	s16 =	sshll.u32 s16, $0xC;
	[sflag:s13] =	ssyncset.done $0x0;
	(pc) =	sbr.rel @!p0 .LBB2_2-.Ltmp0, $4  }
0x1e: {  	s14 =	sadd.s32 s14, s16;
	[sflag:s13] =	ssyncadd.s32 $0xFFFFE000  }
0x1f: {  	[hbm4b:s14+s2] =	stream.linear.scatter [tilespmem:s7], [sflag:$0x2], $0x8000, $0x38;
	[tilespmem:$0x8200] =	vst v63  }
0x20: {  	_ =	swait.ge [sflag:s3], $0x8000  }
0x21: {  	s15 =	sadd.s32 $0xFFFFFFFF, s15;
	[sflag:s3] =	ssyncset.done $0x0  }
.LBB2_1:
0x22: {  	p0 =	sne.s32 s15, $0x1;
	s15 =	sadd.s32 $0xFFFFFFFF, s15;
	[sflag:s3] =	ssyncadd.s32 $0xFFFF8000  }
0x23: {  	[tilespmem:s2], [sflag:$0x2] =	stream.linear.gather [hbm4b:s4+s2], $0x200, $0x38;
	[tilespmem:$0x8200] =	vst v63  }
0x24: {  	_ =	swait.ge [sflag:s3], $0x200  }
0x25: {  	[sflag:s3] =	ssyncset.done $0x0  }
0x26: {  	[sflag:s3] =	ssyncadd.s32 $0xFFFFFE00  }
0x27: {  	[tilespmem:s7], [sflag:$0x1] =	stream.indirect.gather [hbm4b:s5+s6], $0x40, s2, s6, $0xb8;
	[tilespmem:$0x8200] =	vst v63  }
0x28: {  	_ = 	snop  }
0x29: {  	[tilespmem:s8], [sflag:$0x1] =	stream.indirect.gather [hbm4b:s5+s6], $0x40, s6, s6, $0xb8;
	[tilespmem:$0x8200] =	vst v63  }
0x2a: {  	_ = 	snop  }
0x2b: {  	[tilespmem:s10], [sflag:$0x1] =	stream.indirect.gather [hbm4b:s5+s6], $0x40, s9, s6, $0xb8;
	[tilespmem:$0x8200] =	vst v63  }
0x2c: {  	_ = 	snop  }
0x2d: {  	[tilespmem:s12], [sflag:$0x1] =	stream.indirect.gather [hbm4b:s5+s6], $0x40, s11, s6, $0xb8;
	[tilespmem:$0x8200] =	vst v63  }
0x2e: {  	_ =	swait.ge [sflag:s13], $0x2000  }
0x2f: {  	[sflag:s13] =	ssyncset.done $0x0  }
0x30: {  	[sflag:s13] =	ssyncadd.s32 $0xFFFFE000  }
0x31: {  	_ =	swait.ge [sflag:s13], $0x2000  }
0x32: {  	[sflag:s13] =	ssyncset.done $0x0  }
0x33: {  	[sflag:s13] =	ssyncadd.s32 $0xFFFFE000  }
0x34: {  	_ =	swait.ge [sflag:s13], $0x2000  }
0x35: {  	[sflag:s13] =	ssyncset.done $0x0  }
0x36: {  	[sflag:s13] =	ssyncadd.s32 $0xFFFFE000  }
0x37: {  	_ =	swait.ge [sflag:s13], $0x2000  }
.Ltmp1:
0x38: {  	[sflag:s13] =	ssyncset.done $0x0;
	(pc) =	sbr.rel @p0 .LBB2_1-.Ltmp1, $4  }
0x39: {  	[sflag:s13] =	ssyncadd.s32 $0xFFFFE000  }
0x3a: {  	[hbm4b:s14+s2] =	stream.linear.scatter [tilespmem:s7], [sflag:$0x2], $0x8000, $0x38;
	[tilespmem:$0x8200] =	vst v63  }
0x3b: {  	_ =	swait.ge [sflag:s3], $0x8000  }
0x3c: {  	[sflag:s3] =	ssyncset.done $0x0  }
.LBB2_2:
0x3d: {  	[sflag:s3] =	ssyncadd.s32 $0xFFFF8000  }
0x3e: {  	_ =	sfence.sel $0x180000  }
0x3f: {  	[bflag:$0x0] =	sbarrier.arrive $0xFFFF  }
0x40: {  	p0 =	sne.s32 s0, $0x0;
	_ =	strace $0x90000047  }
0x41: {  	s0 =	sadd.s32 @!p0 $0x100000, s1;
	[bflag:$0x2] =	sbarrier.arrive $0xFFFF  }
0x42: {  	[sflag:s0] =	ssyncadd.tile.s32 @!p0 $0x1;
	_ =	shalt  }
.Lfunc_end2:
_tile_overlayer_lowered:
.L_overlay_start_2:
0x43: {  	(tag) =	ssettag $0x2  }
0x44: {  	s0 =	rddreg [dreg:$0x0];
	s2 =	stileid.u32  }
0x45: {  	s1 =	rddreg [dreg:$0x1];
	p0 =	sne.s32 s2, $0x0  }
0x46: {  	s3 =	rddreg [dreg:$0x2];
	[bflag:$0x3] =	sbarrier.arrive $0xFFFF;
	s2 =	simm.s32 @!p0 $0x1C02  }
0x47: {  	[timem:s3], [sflag:s2] =	dma.local @!p0 [hbm:s0], s1  }
0x48: {  	s0 =	simm.s32 @!p0 $0x2  }
0x49: {  	_ =	swait.ge @!p0 [sflag:s0], s1  }
0x4a: {  	s1 =	ssub.s32 @!p0 $0x0, s1;
	[sflag:s0] =	ssyncset.done @!p0 $0x0  }
0x4b: {  	[sflag:s0] =	ssyncadd.s32 @!p0 s1  }
0x4c: {  	[bflag:$0x3] =	sbarrier.arrive $0xFFFF  }
0x4d: {  	_ =	shalt  }

</sc_bundles>
